<compile_context>
chip_gen: v7x
topology: tpu7x:2x2x1
jax: 0.10.2.dev20260603
libtpu: 0.0.44.dev20260713+nightly
codegen_flags: <defaults>
</compile_context>

<pallas_src>
import functools

import jax
import jax.numpy as jnp
from jax import lax
from jax.experimental import pallas as pl
from jax.experimental.pallas import tpu as pltpu
from jax.experimental.pallas import tpu_sc as plsc

NUM_ROWS = 100000
D = 128
NC = 2
NS = 16
NW = NC * NS
C = 120
FULL = 3120
NCH = FULL // C
EXTRA_W = (NUM_ROWS - NW * FULL) // 8
NBUF = 4
LAG = 2

_mesh = plsc.VectorSubcoreMesh(core_axis_name="c", subcore_axis_name="s")


@functools.partial(
    pl.kernel,
    mesh=_mesh,
    out_type=jax.ShapeDtypeStruct((NUM_ROWS, D), jnp.float32),
    scratch_types=[
        pltpu.VMEM((FULL + 8,), jnp.int32),
        *[pltpu.VMEM((C, D), jnp.float32) for _ in range(NBUF)],
        *[pltpu.SemaphoreType.DMA for _ in range(2 * NBUF)],
    ],
)
def _emb_lookup(idx_hbm, table_hbm, out_hbm, idx_v, *scratch):
    bufs = scratch[:NBUF]
    gsem = scratch[NBUF:2 * NBUF]
    wsem = scratch[2 * NBUF:]
    wid = lax.axis_index("s") * NC + lax.axis_index("c")
    base = wid * FULL + 8 * jnp.minimum(wid, EXTRA_W)

    pltpu.sync_copy(idx_hbm.at[pl.ds(base, FULL)], idx_v.at[pl.ds(0, FULL)])

    for t in range(NCH + LAG):
        if t < NCH:
            b = t % NBUF
            if t >= NBUF:
                pltpu.make_async_copy(
                    bufs[b].at[pl.ds(0, 8)], out_hbm.at[pl.ds(0, 8)], wsem[b]
                ).wait()
            pltpu.async_copy(
                table_hbm.at[idx_v.at[pl.ds(t * C, C)]], bufs[b], gsem[b]
            )
        w = t - LAG
        if 0 <= w < NCH:
            bw = w % NBUF
            pltpu.make_async_copy(
                table_hbm.at[pl.ds(0, C)], bufs[bw], gsem[bw]
            ).wait()
            pltpu.async_copy(
                bufs[bw].at[pl.ds(0, 8)], out_hbm.at[pl.ds(base, 8)], wsem[bw]
            )
    for b in range(NBUF):
        pltpu.make_async_copy(
            bufs[b].at[pl.ds(0, 8)], out_hbm.at[pl.ds(0, 8)], wsem[b]
        ).wait()

    @pl.when(wid < EXTRA_W)
    def _tail():
        pltpu.sync_copy(
            idx_hbm.at[pl.ds(base + FULL, 8)], idx_v.at[pl.ds(FULL, 8)]
        )
        pltpu.async_copy(
            table_hbm.at[idx_v.at[pl.ds(FULL, 8)]], bufs[0].at[pl.ds(0, 8)],
            gsem[0],
        ).wait()
        pltpu.sync_copy(
            bufs[0].at[pl.ds(0, 8)], out_hbm.at[pl.ds(base + FULL, 8)]
        )


def kernel(node_id, table):
    return _emb_lookup(node_id.astype(jnp.int32), table)

# --- scband reference (transcript-rebuilt; emitter-appended) ---
"""Pipeline reference for scband-embedding-layer-30966714204801 (READ-ONLY COPY).

The authoritative reference and input builder live on the scoring server;
editing this copy changes nothing except your own understanding.
"""

import jax, jax.numpy as jnp
import numpy as np

NUM_NODES = 100000
H_DIM = 128


def setup_inputs(seed: int = 0) -> dict:
    key = jax.random.key(seed)
    k1, k2 = jax.random.split(key)
    node_id = jax.random.randint(k1, (NUM_NODES,), 0, NUM_NODES)
    table = jax.random.normal(k2, (NUM_NODES, H_DIM), dtype=jnp.float32)
    # padding_idx=0: torch zeros the padding row at init
    table = table.at[0].set(0.0)
    return {"node_id": node_id, "table": table}


def reference(node_id, table):
    # EmbeddingLayer.forward: h = embedding(node_id); g.ndata['h'] = h; return h
    # padding_idx=0 semantics: row 0 always reads as zeros
    t = table.at[0].set(0.0)
    h = jnp.take(t, node_id, axis=0)
    return h

if __name__ == "__main__":
    import jax
    _d = setup_inputs()
    print(jax.jit(kernel)(*tuple(_d.values())))

</pallas_src>

<mosaic_0001>
#map = affine_map<(d0, d1) -> (0)>
#map1 = affine_map<(d0, d1) -> (0, 0)>
module attributes {stable_mosaic.version = 14 : i64} {
  func.func @_emb_lookup(%arg0: i32, %arg1: i32, %arg2: memref<100000xi32, #tpu.memory_space<hbm>>, %arg3: memref<100000x128xf32, #tpu.memory_space<hbm>>, %arg4: memref<100000x128xf32, #tpu.memory_space<hbm>>, %arg5: memref<3128xi32, #tpu.memory_space<vmem>>, %arg6: memref<120x128xf32, #tpu.memory_space<vmem>>, %arg7: memref<120x128xf32, #tpu.memory_space<vmem>>, %arg8: memref<120x128xf32, #tpu.memory_space<vmem>>, %arg9: memref<120x128xf32, #tpu.memory_space<vmem>>, %arg10: memref<!tpu.dma_semaphore, #tpu.memory_space<semaphore_mem>>, %arg11: memref<!tpu.dma_semaphore, #tpu.memory_space<semaphore_mem>>, %arg12: memref<!tpu.dma_semaphore, #tpu.memory_space<semaphore_mem>>, %arg13: memref<!tpu.dma_semaphore, #tpu.memory_space<semaphore_mem>>, %arg14: memref<!tpu.dma_semaphore, #tpu.memory_space<semaphore_mem>>, %arg15: memref<!tpu.dma_semaphore, #tpu.memory_space<semaphore_mem>>, %arg16: memref<!tpu.dma_semaphore, #tpu.memory_space<semaphore_mem>>, %arg17: memref<!tpu.dma_semaphore, #tpu.memory_space<semaphore_mem>>) attributes {dimension_semantics = [#tpu.dimension_semantics<core_parallel>, #tpu.dimension_semantics<subcore_parallel>], iteration_bounds = array<i64: 2, 16>, scalar_prefetch = 0 : i64, scratch_operands = 13 : i64, tpu.core_type = #tpu.core_type<sc_vector_subcore>, window_params = [{transform_indices = #map}, {transform_indices = #map1}, {transform_indices = #map1}]} {
    %mul3A = arith.constant 2 : i32
    %mul3A_0 = arith.muli %arg1, %mul3A : i32
    %add3A = arith.addi %mul3A_0, %arg0 : i32
    %mul3A_1 = arith.constant 3120 : i32
    %mul3A_2 = arith.muli %add3A, %mul3A_1 : i32
    %min3A = arith.constant 20 : i32
    %min3A_3 = arith.minsi %add3A, %min3A : i32
    %mul3A_4 = arith.constant 8 : i32
    %mul3A_5 = arith.muli %mul3A_4, %min3A_3 : i32
    %add3A_6 = arith.addi %mul3A_2, %mul3A_5 : i32
    "tpu.region"() ({
      %run_scoped3A = tpu.sem_alloc : memref<!tpu.dma_semaphore, #tpu.memory_space<semaphore_mem>>
      %dma_start3A_865 = arith.constant 0 : i32
      %dma_start3A_866 = tpu.memref_slice %arg5[%dma_start3A_865] : memref<3128xi32, #tpu.memory_space<vmem>> -> memref<3120xi32, #tpu.memory_space<vmem>>
      %dma_start3A_867 = tpu.memref_slice %arg2[%add3A_6] : memref<100000xi32, #tpu.memory_space<hbm>> -> memref<3120xi32, #tpu.memory_space<hbm>>
      %dma_start3A_868 = arith.constant 0 : i32
      %dma_start3A_869 = tpu.memref_slice %arg5[%dma_start3A_868] : memref<3128xi32, #tpu.memory_space<vmem>> -> memref<3120xi32, #tpu.memory_space<vmem>>
      %dma_start3A_870 = tpu.memref_slice %arg2[%add3A_6] : memref<100000xi32, #tpu.memory_space<hbm>> -> memref<3120xi32, #tpu.memory_space<hbm>>
      tpu.enqueue_dma source(%dma_start3A_870 : memref<3120xi32, #tpu.memory_space<hbm>>) target(%dma_start3A_869 : memref<3120xi32, #tpu.memory_space<vmem>>) target_semaphore(%run_scoped3A : memref<!tpu.dma_semaphore, #tpu.memory_space<semaphore_mem>>)
      %dma_wait3A_871 = arith.constant 0 : i32
      %dma_wait3A_872 = tpu.memref_slice %arg5[%dma_wait3A_871] : memref<3128xi32, #tpu.memory_space<vmem>> -> memref<3120xi32, #tpu.memory_space<vmem>>
      %dma_wait3A_873 = tpu.memref_slice %arg2[%add3A_6] : memref<100000xi32, #tpu.memory_space<hbm>> -> memref<3120xi32, #tpu.memory_space<hbm>>
      %dma_wait3A_874 = arith.constant 0 : i32
      %dma_wait3A_875 = tpu.memref_slice %arg5[%dma_wait3A_874] : memref<3128xi32, #tpu.memory_space<vmem>> -> memref<3120xi32, #tpu.memory_space<vmem>>
      %dma_wait3A_876 = tpu.memref_slice %arg2[%add3A_6] : memref<100000xi32, #tpu.memory_space<hbm>> -> memref<3120xi32, #tpu.memory_space<hbm>>
      tpu.wait_dma2 semaphore(%run_scoped3A : memref<!tpu.dma_semaphore, #tpu.memory_space<semaphore_mem>>) src(%dma_wait3A_876 : memref<3120xi32, #tpu.memory_space<hbm>>) dst(%dma_wait3A_875 : memref<3120xi32, #tpu.memory_space<vmem>>)
      tpu.yield
    }) : () -> ()
    %dma_start3A = arith.constant 0 : i32
    %dma_start3A_7 = tpu.memref_slice %arg5[%dma_start3A] : memref<3128xi32, #tpu.memory_space<vmem>> -> memref<120xi32, #tpu.memory_space<vmem>>
    %dma_start3A_8 = arith.constant 0 : i32
    %dma_start3A_9 = arith.constant 0 : i32
    %dma_start3A_10 = tpu.memref_slice %arg3[%dma_start3A_8, %dma_start3A_9] : memref<100000x128xf32, #tpu.memory_space<hbm>> -> memref<100000x128xf32, #tpu.memory_space<hbm>>
    tpu.enqueue_indirect_dma source(%dma_start3A_10 : memref<100000x128xf32, #tpu.memory_space<hbm>>) target(%arg6 : memref<120x128xf32, #tpu.memory_space<vmem>>) offsets(%dma_start3A_7 : memref<120xi32, #tpu.memory_space<vmem>>) semaphore(%arg10 : memref<!tpu.dma_semaphore, #tpu.memory_space<semaphore_mem>>)
    %dma_start3A_11 = arith.constant 120 : i32
    %dma_start3A_12 = tpu.memref_slice %arg5[%dma_start3A_11] : memref<3128xi32, #tpu.memory_space<vmem>> -> memref<120xi32, #tpu.memory_space<vmem>>
    %dma_start3A_13 = arith.constant 0 : i32
    %dma_start3A_14 = arith.constant 0 : i32
    %dma_start3A_15 = tpu.memref_slice %arg3[%dma_start3A_13, %dma_start3A_14] : memref<100000x128xf32, #tpu.memory_space<hbm>> -> memref<100000x128xf32, #tpu.memory_space<hbm>>
    tpu.enqueue_indirect_dma source(%dma_start3A_15 : memref<100000x128xf32, #tpu.memory_space<hbm>>) target(%arg7 : memref<120x128xf32, #tpu.memory_space<vmem>>) offsets(%dma_start3A_12 : memref<120xi32, #tpu.memory_space<vmem>>) semaphore(%arg11 : memref<!tpu.dma_semaphore, #tpu.memory_space<semaphore_mem>>)
    %dma_start3A_16 = arith.constant 240 : i32
    %dma_start3A_17 = tpu.memref_slice %arg5[%dma_start3A_16] : memref<3128xi32, #tpu.memory_space<vmem>> -> memref<120xi32, #tpu.memory_space<vmem>>
    %dma_start3A_18 = arith.constant 0 : i32
    %dma_start3A_19 = arith.constant 0 : i32
    %dma_start3A_20 = tpu.memref_slice %arg3[%dma_start3A_18, %dma_start3A_19] : memref<100000x128xf32, #tpu.memory_space<hbm>> -> memref<100000x128xf32, #tpu.memory_space<hbm>>
    tpu.enqueue_indirect_dma source(%dma_start3A_20 : memref<100000x128xf32, #tpu.memory_space<hbm>>) target(%arg8 : memref<120x128xf32, #tpu.memory_space<vmem>>) offsets(%dma_start3A_17 : memref<120xi32, #tpu.memory_space<vmem>>) semaphore(%arg12 : memref<!tpu.dma_semaphore, #tpu.memory_space<semaphore_mem>>)
    %dma_wait3A = arith.constant 0 : i32
    %dma_wait3A_21 = arith.constant 0 : i32
    %dma_wait3A_22 = tpu.memref_slice %arg3[%dma_wait3A, %dma_wait3A_21] : memref<100000x128xf32, #tpu.memory_space<hbm>> -> memref<120x128xf32, #tpu.memory_space<hbm>>
    %dma_wait3A_23 = arith.constant 0 : i32
    %dma_wait3A_24 = arith.constant 0 : i32
    %dma_wait3A_25 = tpu.memref_slice %arg3[%dma_wait3A_23, %dma_wait3A_24] : memref<100000x128xf32, #tpu.memory_space<hbm>> -> memref<120x128xf32, #tpu.memory_space<hbm>>
    tpu.wait_dma2 semaphore(%arg10 : memref<!tpu.dma_semaphore, #tpu.memory_space<semaphore_mem>>) src(%dma_wait3A_25 : memref<120x128xf32, #tpu.memory_space<hbm>>) dst(%arg6 : memref<120x128xf32, #tpu.memory_space<vmem>>)
    %dma_start3A_26 = arith.constant 0 : i32
    %dma_start3A_27 = arith.constant 0 : i32
    %dma_start3A_28 = tpu.memref_slice %arg6[%dma_start3A_26, %dma_start3A_27] : memref<120x128xf32, #tpu.memory_space<vmem>> -> memref<8x128xf32, #tpu.memory_space<vmem>>
    %dma_start3A_29 = arith.constant 0 : i32
    %dma_start3A_30 = tpu.memref_slice %arg4[%add3A_6, %dma_start3A_29] : memref<100000x128xf32, #tpu.memory_space<hbm>> -> memref<8x128xf32, #tpu.memory_space<hbm>>
    %dma_start3A_31 = arith.constant 0 : i32
    %dma_start3A_32 = tpu.memref_slice %arg4[%add3A_6, %dma_start3A_31] : memref<100000x128xf32, #tpu.memory_space<hbm>> -> memref<8x128xf32, #tpu.memory_space<hbm>>
    %dma_start3A_33 = arith.constant 0 : i32
    %dma_start3A_34 = arith.constant 0 : i32
    %dma_start3A_35 = tpu.memref_slice %arg6[%dma_start3A_33, %dma_start3A_34] : memref<120x128xf32, #tpu.memory_space<vmem>> -> memref<8x128xf32, #tpu.memory_space<vmem>>
    tpu.enqueue_dma source(%dma_start3A_35 : memref<8x128xf32, #tpu.memory_space<vmem>>) target(%dma_start3A_32 : memref<8x128xf32, #tpu.memory_space<hbm>>) target_semaphore(%arg14 : memref<!tpu.dma_semaphore, #tpu.memory_space<semaphore_mem>>)
    %dma_start3A_36 = arith.constant 360 : i32
    %dma_start3A_37 = tpu.memref_slice %arg5[%dma_start3A_36] : memref<3128xi32, #tpu.memory_space<vmem>> -> memref<120xi32, #tpu.memory_space<vmem>>
    %dma_start3A_38 = arith.constant 0 : i32
    %dma_start3A_39 = arith.constant 0 : i32
    %dma_start3A_40 = tpu.memref_slice %arg3[%dma_start3A_38, %dma_start3A_39] : memref<100000x128xf32, #tpu.memory_space<hbm>> -> memref<100000x128xf32, #tpu.memory_space<hbm>>
    tpu.enqueue_indirect_dma source(%dma_start3A_40 : memref<100000x128xf32, #tpu.memory_space<hbm>>) target(%arg9 : memref<120x128xf32, #tpu.memory_space<vmem>>) offsets(%dma_start3A_37 : memref<120xi32, #tpu.memory_space<vmem>>) semaphore(%arg13 : memref<!tpu.dma_semaphore, #tpu.memory_space<semaphore_mem>>)
    %dma_wait3A_41 = arith.constant 0 : i32
    %dma_wait3A_42 = arith.constant 0 : i32
    %dma_wait3A_43 = tpu.memref_slice %arg3[%dma_wait3A_41, %dma_wait3A_42] : memref<100000x128xf32, #tpu.memory_space<hbm>> -> memref<120x128xf32, #tpu.memory_space<hbm>>
    %dma_wait3A_44 = arith.constant 0 : i32
    %dma_wait3A_45 = arith.constant 0 : i32
    %dma_wait3A_46 = tpu.memref_slice %arg3[%dma_wait3A_44, %dma_wait3A_45] : memref<100000x128xf32, #tpu.memory_space<hbm>> -> memref<120x128xf32, #tpu.memory_space<hbm>>
    tpu.wait_dma2 semaphore(%arg11 : memref<!tpu.dma_semaphore, #tpu.memory_space<semaphore_mem>>) src(%dma_wait3A_46 : memref<120x128xf32, #tpu.memory_space<hbm>>) dst(%arg7 : memref<120x128xf32, #tpu.memory_space<vmem>>)
    %dma_start3A_47 = arith.constant 0 : i32
    %dma_start3A_48 = arith.constant 0 : i32
    %dma_start3A_49 = tpu.memref_slice %arg7[%dma_start3A_47, %dma_start3A_48] : memref<120x128xf32, #tpu.memory_space<vmem>> -> memref<8x128xf32, #tpu.memory_space<vmem>>
    %dma_start3A_50 = arith.constant 0 : i32
    %dma_start3A_51 = tpu.memref_slice %arg4[%add3A_6, %dma_start3A_50] : memref<100000x128xf32, #tpu.memory_space<hbm>> -> memref<8x128xf32, #tpu.memory_space<hbm>>
    %dma_start3A_52 = arith.constant 0 : i32
    %dma_start3A_53 = tpu.memref_slice %arg4[%add3A_6, %dma_start3A_52] : memref<100000x128xf32, #tpu.memory_space<hbm>> -> memref<8x128xf32, #tpu.memory_space<hbm>>
    %dma_start3A_54 = arith.constant 0 : i32
    %dma_start3A_55 = arith.constant 0 : i32
    %dma_start3A_56 = tpu.memref_slice %arg7[%dma_start3A_54, %dma_start3A_55] : memref<120x128xf32, #tpu.memory_space<vmem>> -> memref<8x128xf32, #tpu.memory_space<vmem>>
    tpu.enqueue_dma source(%dma_start3A_56 : memref<8x128xf32, #tpu.memory_space<vmem>>) target(%dma_start3A_53 : memref<8x128xf32, #tpu.memory_space<hbm>>) target_semaphore(%arg15 : memref<!tpu.dma_semaphore, #tpu.memory_space<semaphore_mem>>)
    %dma_wait3A_57 = arith.constant 0 : i32
    %dma_wait3A_58 = arith.constant 0 : i32
    %dma_wait3A_59 = tpu.memref_slice %arg6[%dma_wait3A_57, %dma_wait3A_58] : memref<120x128xf32, #tpu.memory_space<vmem>> -> memref<8x128xf32, #tpu.memory_space<vmem>>
    %dma_wait3A_60 = arith.constant 0 : i32
    %dma_wait3A_61 = arith.constant 0 : i32
    %dma_wait3A_62 = tpu.memref_slice %arg4[%dma_wait3A_60, %dma_wait3A_61] : memref<100000x128xf32, #tpu.memory_space<hbm>> -> memref<8x128xf32, #tpu.memory_space<hbm>>
    %dma_wait3A_63 = arith.constant 0 : i32
    %dma_wait3A_64 = arith.constant 0 : i32
    %dma_wait3A_65 = tpu.memref_slice %arg4[%dma_wait3A_63, %dma_wait3A_64] : memref<100000x128xf32, #tpu.memory_space<hbm>> -> memref<8x128xf32, #tpu.memory_space<hbm>>
    %dma_wait3A_66 = arith.constant 0 : i32
    %dma_wait3A_67 = arith.constant 0 : i32
    %dma_wait3A_68 = tpu.memref_slice %arg6[%dma_wait3A_66, %dma_wait3A_67] : memref<120x128xf32, #tpu.memory_space<vmem>> -> memref<8x128xf32, #tpu.memory_space<vmem>>
    tpu.wait_dma2 semaphore(%arg14 : memref<!tpu.dma_semaphore, #tpu.memory_space<semaphore_mem>>) src(%dma_wait3A_68 : memref<8x128xf32, #tpu.memory_space<vmem>>) dst(%dma_wait3A_65 : memref<8x128xf32, #tpu.memory_space<hbm>>)
    %dma_start3A_69 = arith.constant 480 : i32
    %dma_start3A_70 = tpu.memref_slice %arg5[%dma_start3A_69] : memref<3128xi32, #tpu.memory_space<vmem>> -> memref<120xi32, #tpu.memory_space<vmem>>
    %dma_start3A_71 = arith.constant 0 : i32
    %dma_start3A_72 = arith.constant 0 : i32
    %dma_start3A_73 = tpu.memref_slice %arg3[%dma_start3A_71, %dma_start3A_72] : memref<100000x128xf32, #tpu.memory_space<hbm>> -> memref<100000x128xf32, #tpu.memory_space<hbm>>
    tpu.enqueue_indirect_dma source(%dma_start3A_73 : memref<100000x128xf32, #tpu.memory_space<hbm>>) target(%arg6 : memref<120x128xf32, #tpu.memory_space<vmem>>) offsets(%dma_start3A_70 : memref<120xi32, #tpu.memory_space<vmem>>) semaphore(%arg10 : memref<!tpu.dma_semaphore, #tpu.memory_space<semaphore_mem>>)
    %dma_wait3A_74 = arith.constant 0 : i32
    %dma_wait3A_75 = arith.constant 0 : i32
    %dma_wait3A_76 = tpu.memref_slice %arg3[%dma_wait3A_74, %dma_wait3A_75] : memref<100000x128xf32, #tpu.memory_space<hbm>> -> memref<120x128xf32, #tpu.memory_space<hbm>>
    %dma_wait3A_77 = arith.constant 0 : i32
    %dma_wait3A_78 = arith.constant 0 : i32
    %dma_wait3A_79 = tpu.memref_slice %arg3[%dma_wait3A_77, %dma_wait3A_78] : memref<100000x128xf32, #tpu.memory_space<hbm>> -> memref<120x128xf32, #tpu.memory_space<hbm>>
    tpu.wait_dma2 semaphore(%arg12 : memref<!tpu.dma_semaphore, #tpu.memory_space<semaphore_mem>>) src(%dma_wait3A_79 : memref<120x128xf32, #tpu.memory_space<hbm>>) dst(%arg8 : memref<120x128xf32, #tpu.memory_space<vmem>>)
    %dma_start3A_80 = arith.constant 0 : i32
    %dma_start3A_81 = arith.constant 0 : i32
    %dma_start3A_82 = tpu.memref_slice %arg8[%dma_start3A_80, %dma_start3A_81] : memref<120x128xf32, #tpu.memory_space<vmem>> -> memref<8x128xf32, #tpu.memory_space<vmem>>
    %dma_start3A_83 = arith.constant 0 : i32
    %dma_start3A_84 = tpu.memref_slice %arg4[%add3A_6, %dma_start3A_83] : memref<100000x128xf32, #tpu.memory_space<hbm>> -> memref<8x128xf32, #tpu.memory_space<hbm>>
    %dma_start3A_85 = arith.constant 0 : i32
    %dma_start3A_86 = tpu.memref_slice %arg4[%add3A_6, %dma_start3A_85] : memref<100000x128xf32, #tpu.memory_space<hbm>> -> memref<8x128xf32, #tpu.memory_space<hbm>>
    %dma_start3A_87 = arith.constant 0 : i32
    %dma_start3A_88 = arith.constant 0 : i32
    %dma_start3A_89 = tpu.memref_slice %arg8[%dma_start3A_87, %dma_start3A_88] : memref<120x128xf32, #tpu.memory_space<vmem>> -> memref<8x128xf32, #tpu.memory_space<vmem>>
    tpu.enqueue_dma source(%dma_start3A_89 : memref<8x128xf32, #tpu.memory_space<vmem>>) target(%dma_start3A_86 : memref<8x128xf32, #tpu.memory_space<hbm>>) target_semaphore(%arg16 : memref<!tpu.dma_semaphore, #tpu.memory_space<semaphore_mem>>)
    %dma_wait3A_90 = arith.constant 0 : i32
    %dma_wait3A_91 = arith.constant 0 : i32
    %dma_wait3A_92 = tpu.memref_slice %arg7[%dma_wait3A_90, %dma_wait3A_91] : memref<120x128xf32, #tpu.memory_space<vmem>> -> memref<8x128xf32, #tpu.memory_space<vmem>>
    %dma_wait3A_93 = arith.constant 0 : i32
    %dma_wait3A_94 = arith.constant 0 : i32
    %dma_wait3A_95 = tpu.memref_slice %arg4[%dma_wait3A_93, %dma_wait3A_94] : memref<100000x128xf32, #tpu.memory_space<hbm>> -> memref<8x128xf32, #tpu.memory_space<hbm>>
    %dma_wait3A_96 = arith.constant 0 : i32
    %dma_wait3A_97 = arith.constant 0 : i32
    %dma_wait3A_98 = tpu.memref_slice %arg4[%dma_wait3A_96, %dma_wait3A_97] : memref<100000x128xf32, #tpu.memory_space<hbm>> -> memref<8x128xf32, #tpu.memory_space<hbm>>
    %dma_wait3A_99 = arith.constant 0 : i32
    %dma_wait3A_100 = arith.constant 0 : i32
    %dma_wait3A_101 = tpu.memref_slice %arg7[%dma_wait3A_99, %dma_wait3A_100] : memref<120x128xf32, #tpu.memory_space<vmem>> -> memref<8x128xf32, #tpu.memory_space<vmem>>
    tpu.wait_dma2 semaphore(%arg15 : memref<!tpu.dma_semaphore, #tpu.memory_space<semaphore_mem>>) src(%dma_wait3A_101 : memref<8x128xf32, #tpu.memory_space<vmem>>) dst(%dma_wait3A_98 : memref<8x128xf32, #tpu.memory_space<hbm>>)
    %dma_start3A_102 = arith.constant 600 : i32
    %dma_start3A_103 = tpu.memref_slice %arg5[%dma_start3A_102] : memref<3128xi32, #tpu.memory_space<vmem>> -> memref<120xi32, #tpu.memory_space<vmem>>
    %dma_start3A_104 = arith.constant 0 : i32
    %dma_start3A_105 = arith.constant 0 : i32
    %dma_start3A_106 = tpu.memref_slice %arg3[%dma_start3A_104, %dma_start3A_105] : memref<100000x128xf32, #tpu.memory_space<hbm>> -> memref<100000x128xf32, #tpu.memory_space<hbm>>
    tpu.enqueue_indirect_dma source(%dma_start3A_106 : memref<100000x128xf32, #tpu.memory_space<hbm>>) target(%arg7 : memref<120x128xf32, #tpu.memory_space<vmem>>) offsets(%dma_start3A_103 : memref<120xi32, #tpu.memory_space<vmem>>) semaphore(%arg11 : memref<!tpu.dma_semaphore, #tpu.memory_space<semaphore_mem>>)
    %dma_wait3A_107 = arith.constant 0 : i32
    %dma_wait3A_108 = arith.constant 0 : i32
    %dma_wait3A_109 = tpu.memref_slice %arg3[%dma_wait3A_107, %dma_wait3A_108] : memref<100000x128xf32, #tpu.memory_space<hbm>> -> memref<120x128xf32, #tpu.memory_space<hbm>>
    %dma_wait3A_110 = arith.constant 0 : i32
    %dma_wait3A_111 = arith.constant 0 : i32
    %dma_wait3A_112 = tpu.memref_slice %arg3[%dma_wait3A_110, %dma_wait3A_111] : memref<100000x128xf32, #tpu.memory_space<hbm>> -> memref<120x128xf32, #tpu.memory_space<hbm>>
    tpu.wait_dma2 semaphore(%arg13 : memref<!tpu.dma_semaphore, #tpu.memory_space<semaphore_mem>>) src(%dma_wait3A_112 : memref<120x128xf32, #tpu.memory_space<hbm>>) dst(%arg9 : memref<120x128xf32, #tpu.memory_space<vmem>>)
    %dma_start3A_113 = arith.constant 0 : i32
    %dma_start3A_114 = arith.constant 0 : i32
    %dma_start3A_115 = tpu.memref_slice %arg9[%dma_start3A_113, %dma_start3A_114] : memref<120x128xf32, #tpu.memory_space<vmem>> -> memref<8x128xf32, #tpu.memory_space<vmem>>
    %dma_start3A_116 = arith.constant 0 : i32
    %dma_start3A_117 = tpu.memref_slice %arg4[%add3A_6, %dma_start3A_116] : memref<100000x128xf32, #tpu.memory_space<hbm>> -> memref<8x128xf32, #tpu.memory_space<hbm>>
    %dma_start3A_118 = arith.constant 0 : i32
    %dma_start3A_119 = tpu.memref_slice %arg4[%add3A_6, %dma_start3A_118] : memref<100000x128xf32, #tpu.memory_space<hbm>> -> memref<8x128xf32, #tpu.memory_space<hbm>>
    %dma_start3A_120 = arith.constant 0 : i32
    %dma_start3A_121 = arith.constant 0 : i32
    %dma_start3A_122 = tpu.memref_slice %arg9[%dma_start3A_120, %dma_start3A_121] : memref<120x128xf32, #tpu.memory_space<vmem>> -> memref<8x128xf32, #tpu.memory_space<vmem>>
    tpu.enqueue_dma source(%dma_start3A_122 : memref<8x128xf32, #tpu.memory_space<vmem>>) target(%dma_start3A_119 : memref<8x128xf32, #tpu.memory_space<hbm>>) target_semaphore(%arg17 : memref<!tpu.dma_semaphore, #tpu.memory_space<semaphore_mem>>)
    %dma_wait3A_123 = arith.constant 0 : i32
    %dma_wait3A_124 = arith.constant 0 : i32
    %dma_wait3A_125 = tpu.memref_slice %arg8[%dma_wait3A_123, %dma_wait3A_124] : memref<120x128xf32, #tpu.memory_space<vmem>> -> memref<8x128xf32, #tpu.memory_space<vmem>>
    %dma_wait3A_126 = arith.constant 0 : i32
    %dma_wait3A_127 = arith.constant 0 : i32
    %dma_wait3A_128 = tpu.memref_slice %arg4[%dma_wait3A_126, %dma_wait3A_127] : memref<100000x128xf32, #tpu.memory_space<hbm>> -> memref<8x128xf32, #tpu.memory_space<hbm>>
    %dma_wait3A_129 = arith.constant 0 : i32
    %dma_wait3A_130 = arith.constant 0 : i32
    %dma_wait3A_131 = tpu.memref_slice %arg4[%dma_wait3A_129, %dma_wait3A_130] : memref<100000x128xf32, #tpu.memory_space<hbm>> -> memref<8x128xf32, #tpu.memory_space<hbm>>
    %dma_wait3A_132 = arith.constant 0 : i32
    %dma_wait3A_133 = arith.constant 0 : i32
    %dma_wait3A_134 = tpu.memref_slice %arg8[%dma_wait3A_132, %dma_wait3A_133] : memref<120x128xf32, #tpu.memory_space<vmem>> -> memref<8x128xf32, #tpu.memory_space<vmem>>
    tpu.wait_dma2 semaphore(%arg16 : memref<!tpu.dma_semaphore, #tpu.memory_space<semaphore_mem>>) src(%dma_wait3A_134 : memref<8x128xf32, #tpu.memory_space<vmem>>) dst(%dma_wait3A_131 : memref<8x128xf32, #tpu.memory_space<hbm>>)
    %dma_start3A_135 = arith.constant 720 : i32
    %dma_start3A_136 = tpu.memref_slice %arg5[%dma_start3A_135] : memref<3128xi32, #tpu.memory_space<vmem>> -> memref<120xi32, #tpu.memory_space<vmem>>
    %dma_start3A_137 = arith.constant 0 : i32
    %dma_start3A_138 = arith.constant 0 : i32
    %dma_start3A_139 = tpu.memref_slice %arg3[%dma_start3A_137, %dma_start3A_138] : memref<100000x128xf32, #tpu.memory_space<hbm>> -> memref<100000x128xf32, #tpu.memory_space<hbm>>
    tpu.enqueue_indirect_dma source(%dma_start3A_139 : memref<100000x128xf32, #tpu.memory_space<hbm>>) target(%arg8 : memref<120x128xf32, #tpu.memory_space<vmem>>) offsets(%dma_start3A_136 : memref<120xi32, #tpu.memory_space<vmem>>) semaphore(%arg12 : memref<!tpu.dma_semaphore, #tpu.memory_space<semaphore_mem>>)
    %dma_wait3A_140 = arith.constant 0 : i32
    %dma_wait3A_141 = arith.constant 0 : i32
    %dma_wait3A_142 = tpu.memref_slice %arg3[%dma_wait3A_140, %dma_wait3A_141] : memref<100000x128xf32, #tpu.memory_space<hbm>> -> memref<120x128xf32, #tpu.memory_space<hbm>>
    %dma_wait3A_143 = arith.constant 0 : i32
    %dma_wait3A_144 = arith.constant 0 : i32
    %dma_wait3A_145 = tpu.memref_slice %arg3[%dma_wait3A_143, %dma_wait3A_144] : memref<100000x128xf32, #tpu.memory_space<hbm>> -> memref<120x128xf32, #tpu.memory_space<hbm>>
    tpu.wait_dma2 semaphore(%arg10 : memref<!tpu.dma_semaphore, #tpu.memory_space<semaphore_mem>>) src(%dma_wait3A_145 : memref<120x128xf32, #tpu.memory_space<hbm>>) dst(%arg6 : memref<120x128xf32, #tpu.memory_space<vmem>>)
    %dma_start3A_146 = arith.constant 0 : i32
    %dma_start3A_147 = arith.constant 0 : i32
    %dma_start3A_148 = tpu.memref_slice %arg6[%dma_start3A_146, %dma_start3A_147] : memref<120x128xf32, #tpu.memory_space<vmem>> -> memref<8x128xf32, #tpu.memory_space<vmem>>
    %dma_start3A_149 = arith.constant 0 : i32
    %dma_start3A_150 = tpu.memref_slice %arg4[%add3A_6, %dma_start3A_149] : memref<100000x128xf32, #tpu.memory_space<hbm>> -> memref<8x128xf32, #tpu.memory_space<hbm>>
    %dma_start3A_151 = arith.constant 0 : i32
    %dma_start3A_152 = tpu.memref_slice %arg4[%add3A_6, %dma_start3A_151] : memref<100000x128xf32, #tpu.memory_space<hbm>> -> memref<8x128xf32, #tpu.memory_space<hbm>>
    %dma_start3A_153 = arith.constant 0 : i32
    %dma_start3A_154 = arith.constant 0 : i32
    %dma_start3A_155 = tpu.memref_slice %arg6[%dma_start3A_153, %dma_start3A_154] : memref<120x128xf32, #tpu.memory_space<vmem>> -> memref<8x128xf32, #tpu.memory_space<vmem>>
    tpu.enqueue_dma source(%dma_start3A_155 : memref<8x128xf32, #tpu.memory_space<vmem>>) target(%dma_start3A_152 : memref<8x128xf32, #tpu.memory_space<hbm>>) target_semaphore(%arg14 : memref<!tpu.dma_semaphore, #tpu.memory_space<semaphore_mem>>)
    %dma_wait3A_156 = arith.constant 0 : i32
    %dma_wait3A_157 = arith.constant 0 : i32
    %dma_wait3A_158 = tpu.memref_slice %arg9[%dma_wait3A_156, %dma_wait3A_157] : memref<120x128xf32, #tpu.memory_space<vmem>> -> memref<8x128xf32, #tpu.memory_space<vmem>>
    %dma_wait3A_159 = arith.constant 0 : i32
    %dma_wait3A_160 = arith.constant 0 : i32
    %dma_wait3A_161 = tpu.memref_slice %arg4[%dma_wait3A_159, %dma_wait3A_160] : memref<100000x128xf32, #tpu.memory_space<hbm>> -> memref<8x128xf32, #tpu.memory_space<hbm>>
    %dma_wait3A_162 = arith.constant 0 : i32
    %dma_wait3A_163 = arith.constant 0 : i32
    %dma_wait3A_164 = tpu.memref_slice %arg4[%dma_wait3A_162, %dma_wait3A_163] : memref<100000x128xf32, #tpu.memory_space<hbm>> -> memref<8x128xf32, #tpu.memory_space<hbm>>
    %dma_wait3A_165 = arith.constant 0 : i32
    %dma_wait3A_166 = arith.constant 0 : i32
    %dma_wait3A_167 = tpu.memref_slice %arg9[%dma_wait3A_165, %dma_wait3A_166] : memref<120x128xf32, #tpu.memory_space<vmem>> -> memref<8x128xf32, #tpu.memory_space<vmem>>
    tpu.wait_dma2 semaphore(%arg17 : memref<!tpu.dma_semaphore, #tpu.memory_space<semaphore_mem>>) src(%dma_wait3A_167 : memref<8x128xf32, #tpu.memory_space<vmem>>) dst(%dma_wait3A_164 : memref<8x128xf32, #tpu.memory_space<hbm>>)
    %dma_start3A_168 = arith.constant 840 : i32
    %dma_start3A_169 = tpu.memref_slice %arg5[%dma_start3A_168] : memref<3128xi32, #tpu.memory_space<vmem>> -> memref<120xi32, #tpu.memory_space<vmem>>
    %dma_start3A_170 = arith.constant 0 : i32
    %dma_start3A_171 = arith.constant 0 : i32
    %dma_start3A_172 = tpu.memref_slice %arg3[%dma_start3A_170, %dma_start3A_171] : memref<100000x128xf32, #tpu.memory_space<hbm>> -> memref<100000x128xf32, #tpu.memory_space<hbm>>
    tpu.enqueue_indirect_dma source(%dma_start3A_172 : memref<100000x128xf32, #tpu.memory_space<hbm>>) target(%arg9 : memref<120x128xf32, #tpu.memory_space<vmem>>) offsets(%dma_start3A_169 : memref<120xi32, #tpu.memory_space<vmem>>) semaphore(%arg13 : memref<!tpu.dma_semaphore, #tpu.memory_space<semaphore_mem>>)
    %dma_wait3A_173 = arith.constant 0 : i32
    %dma_wait3A_174 = arith.constant 0 : i32
    %dma_wait3A_175 = tpu.memref_slice %arg3[%dma_wait3A_173, %dma_wait3A_174] : memref<100000x128xf32, #tpu.memory_space<hbm>> -> memref<120x128xf32, #tpu.memory_space<hbm>>
    %dma_wait3A_176 = arith.constant 0 : i32
    %dma_wait3A_177 = arith.constant 0 : i32
    %dma_wait3A_178 = tpu.memref_slice %arg3[%dma_wait3A_176, %dma_wait3A_177] : memref<100000x128xf32, #tpu.memory_space<hbm>> -> memref<120x128xf32, #tpu.memory_space<hbm>>
    tpu.wait_dma2 semaphore(%arg11 : memref<!tpu.dma_semaphore, #tpu.memory_space<semaphore_mem>>) src(%dma_wait3A_178 : memref<120x128xf32, #tpu.memory_space<hbm>>) dst(%arg7 : memref<120x128xf32, #tpu.memory_space<vmem>>)
    %dma_start3A_179 = arith.constant 0 : i32
    %dma_start3A_180 = arith.constant 0 : i32
    %dma_start3A_181 = tpu.memref_slice %arg7[%dma_start3A_179, %dma_start3A_180] : memref<120x128xf32, #tpu.memory_space<vmem>> -> memref<8x128xf32, #tpu.memory_space<vmem>>
    %dma_start3A_182 = arith.constant 0 : i32
    %dma_start3A_183 = tpu.memref_slice %arg4[%add3A_6, %dma_start3A_182] : memref<100000x128xf32, #tpu.memory_space<hbm>> -> memref<8x128xf32, #tpu.memory_space<hbm>>
    %dma_start3A_184 = arith.constant 0 : i32
    %dma_start3A_185 = tpu.memref_slice %arg4[%add3A_6, %dma_start3A_184] : memref<100000x128xf32, #tpu.memory_space<hbm>> -> memref<8x128xf32, #tpu.memory_space<hbm>>
    %dma_start3A_186 = arith.constant 0 : i32
    %dma_start3A_187 = arith.constant 0 : i32
    %dma_start3A_188 = tpu.memref_slice %arg7[%dma_start3A_186, %dma_start3A_187] : memref<120x128xf32, #tpu.memory_space<vmem>> -> memref<8x128xf32, #tpu.memory_space<vmem>>
    tpu.enqueue_dma source(%dma_start3A_188 : memref<8x128xf32, #tpu.memory_space<vmem>>) target(%dma_start3A_185 : memref<8x128xf32, #tpu.memory_space<hbm>>) target_semaphore(%arg15 : memref<!tpu.dma_semaphore, #tpu.memory_space<semaphore_mem>>)
    %dma_wait3A_189 = arith.constant 0 : i32
    %dma_wait3A_190 = arith.constant 0 : i32
    %dma_wait3A_191 = tpu.memref_slice %arg6[%dma_wait3A_189, %dma_wait3A_190] : memref<120x128xf32, #tpu.memory_space<vmem>> -> memref<8x128xf32, #tpu.memory_space<vmem>>
    %dma_wait3A_192 = arith.constant 0 : i32
    %dma_wait3A_193 = arith.constant 0 : i32
    %dma_wait3A_194 = tpu.memref_slice %arg4[%dma_wait3A_192, %dma_wait3A_193] : memref<100000x128xf32, #tpu.memory_space<hbm>> -> memref<8x128xf32, #tpu.memory_space<hbm>>
    %dma_wait3A_195 = arith.constant 0 : i32
    %dma_wait3A_196 = arith.constant 0 : i32
    %dma_wait3A_197 = tpu.memref_slice %arg4[%dma_wait3A_195, %dma_wait3A_196] : memref<100000x128xf32, #tpu.memory_space<hbm>> -> memref<8x128xf32, #tpu.memory_space<hbm>>
    %dma_wait3A_198 = arith.constant 0 : i32
    %dma_wait3A_199 = arith.constant 0 : i32
    %dma_wait3A_200 = tpu.memref_slice %arg6[%dma_wait3A_198, %dma_wait3A_199] : memref<120x128xf32, #tpu.memory_space<vmem>> -> memref<8x128xf32, #tpu.memory_space<vmem>>
    tpu.wait_dma2 semaphore(%arg14 : memref<!tpu.dma_semaphore, #tpu.memory_space<semaphore_mem>>) src(%dma_wait3A_200 : memref<8x128xf32, #tpu.memory_space<vmem>>) dst(%dma_wait3A_197 : memref<8x128xf32, #tpu.memory_space<hbm>>)
    %dma_start3A_201 = arith.constant 960 : i32
    %dma_start3A_202 = tpu.memref_slice %arg5[%dma_start3A_201] : memref<3128xi32, #tpu.memory_space<vmem>> -> memref<120xi32, #tpu.memory_space<vmem>>
    %dma_start3A_203 = arith.constant 0 : i32
    %dma_start3A_204 = arith.constant 0 : i32
    %dma_start3A_205 = tpu.memref_slice %arg3[%dma_start3A_203, %dma_start3A_204] : memref<100000x128xf32, #tpu.memory_space<hbm>> -> memref<100000x128xf32, #tpu.memory_space<hbm>>
    tpu.enqueue_indirect_dma source(%dma_start3A_205 : memref<100000x128xf32, #tpu.memory_space<hbm>>) target(%arg6 : memref<120x128xf32, #tpu.memory_space<vmem>>) offsets(%dma_start3A_202 : memref<120xi32, #tpu.memory_space<vmem>>) semaphore(%arg10 : memref<!tpu.dma_semaphore, #tpu.memory_space<semaphore_mem>>)
    %dma_wait3A_206 = arith.constant 0 : i32
    %dma_wait3A_207 = arith.constant 0 : i32
    %dma_wait3A_208 = tpu.memref_slice %arg3[%dma_wait3A_206, %dma_wait3A_207] : memref<100000x128xf32, #tpu.memory_space<hbm>> -> memref<120x128xf32, #tpu.memory_space<hbm>>
    %dma_wait3A_209 = arith.constant 0 : i32
    %dma_wait3A_210 = arith.constant 0 : i32
    %dma_wait3A_211 = tpu.memref_slice %arg3[%dma_wait3A_209, %dma_wait3A_210] : memref<100000x128xf32, #tpu.memory_space<hbm>> -> memref<120x128xf32, #tpu.memory_space<hbm>>
    tpu.wait_dma2 semaphore(%arg12 : memref<!tpu.dma_semaphore, #tpu.memory_space<semaphore_mem>>) src(%dma_wait3A_211 : memref<120x128xf32, #tpu.memory_space<hbm>>) dst(%arg8 : memref<120x128xf32, #tpu.memory_space<vmem>>)
    %dma_start3A_212 = arith.constant 0 : i32
    %dma_start3A_213 = arith.constant 0 : i32
    %dma_start3A_214 = tpu.memref_slice %arg8[%dma_start3A_212, %dma_start3A_213] : memref<120x128xf32, #tpu.memory_space<vmem>> -> memref<8x128xf32, #tpu.memory_space<vmem>>
    %dma_start3A_215 = arith.constant 0 : i32
    %dma_start3A_216 = tpu.memref_slice %arg4[%add3A_6, %dma_start3A_215] : memref<100000x128xf32, #tpu.memory_space<hbm>> -> memref<8x128xf32, #tpu.memory_space<hbm>>
    %dma_start3A_217 = arith.constant 0 : i32
    %dma_start3A_218 = tpu.memref_slice %arg4[%add3A_6, %dma_start3A_217] : memref<100000x128xf32, #tpu.memory_space<hbm>> -> memref<8x128xf32, #tpu.memory_space<hbm>>
    %dma_start3A_219 = arith.constant 0 : i32
    %dma_start3A_220 = arith.constant 0 : i32
    %dma_start3A_221 = tpu.memref_slice %arg8[%dma_start3A_219, %dma_start3A_220] : memref<120x128xf32, #tpu.memory_space<vmem>> -> memref<8x128xf32, #tpu.memory_space<vmem>>
    tpu.enqueue_dma source(%dma_start3A_221 : memref<8x128xf32, #tpu.memory_space<vmem>>) target(%dma_start3A_218 : memref<8x128xf32, #tpu.memory_space<hbm>>) target_semaphore(%arg16 : memref<!tpu.dma_semaphore, #tpu.memory_space<semaphore_mem>>)
    %dma_wait3A_222 = arith.constant 0 : i32
    %dma_wait3A_223 = arith.constant 0 : i32
    %dma_wait3A_224 = tpu.memref_slice %arg7[%dma_wait3A_222, %dma_wait3A_223] : memref<120x128xf32, #tpu.memory_space<vmem>> -> memref<8x128xf32, #tpu.memory_space<vmem>>
    %dma_wait3A_225 = arith.constant 0 : i32
    %dma_wait3A_226 = arith.constant 0 : i32
    %dma_wait3A_227 = tpu.memref_slice %arg4[%dma_wait3A_225, %dma_wait3A_226] : memref<100000x128xf32, #tpu.memory_space<hbm>> -> memref<8x128xf32, #tpu.memory_space<hbm>>
    %dma_wait3A_228 = arith.constant 0 : i32
    %dma_wait3A_229 = arith.constant 0 : i32
    %dma_wait3A_230 = tpu.memref_slice %arg4[%dma_wait3A_228, %dma_wait3A_229] : memref<100000x128xf32, #tpu.memory_space<hbm>> -> memref<8x128xf32, #tpu.memory_space<hbm>>
    %dma_wait3A_231 = arith.constant 0 : i32
    %dma_wait3A_232 = arith.constant 0 : i32
    %dma_wait3A_233 = tpu.memref_slice %arg7[%dma_wait3A_231, %dma_wait3A_232] : memref<120x128xf32, #tpu.memory_space<vmem>> -> memref<8x128xf32, #tpu.memory_space<vmem>>
    tpu.wait_dma2 semaphore(%arg15 : memref<!tpu.dma_semaphore, #tpu.memory_space<semaphore_mem>>) src(%dma_wait3A_233 : memref<8x128xf32, #tpu.memory_space<vmem>>) dst(%dma_wait3A_230 : memref<8x128xf32, #tpu.memory_space<hbm>>)
    %dma_start3A_234 = arith.constant 1080 : i32
    %dma_start3A_235 = tpu.memref_slice %arg5[%dma_start3A_234] : memref<3128xi32, #tpu.memory_space<vmem>> -> memref<120xi32, #tpu.memory_space<vmem>>
    %dma_start3A_236 = arith.constant 0 : i32
    %dma_start3A_237 = arith.constant 0 : i32
    %dma_start3A_238 = tpu.memref_slice %arg3[%dma_start3A_236, %dma_start3A_237] : memref<100000x128xf32, #tpu.memory_space<hbm>> -> memref<100000x128xf32, #tpu.memory_space<hbm>>
    tpu.enqueue_indirect_dma source(%dma_start3A_238 : memref<100000x128xf32, #tpu.memory_space<hbm>>) target(%arg7 : memref<120x128xf32, #tpu.memory_space<vmem>>) offsets(%dma_start3A_235 : memref<120xi32, #tpu.memory_space<vmem>>) semaphore(%arg11 : memref<!tpu.dma_semaphore, #tpu.memory_space<semaphore_mem>>)
    %dma_wait3A_239 = arith.constant 0 : i32
    %dma_wait3A_240 = arith.constant 0 : i32
    %dma_wait3A_241 = tpu.memref_slice %arg3[%dma_wait3A_239, %dma_wait3A_240] : memref<100000x128xf32, #tpu.memory_space<hbm>> -> memref<120x128xf32, #tpu.memory_space<hbm>>
    %dma_wait3A_242 = arith.constant 0 : i32
    %dma_wait3A_243 = arith.constant 0 : i32
    %dma_wait3A_244 = tpu.memref_slice %arg3[%dma_wait3A_242, %dma_wait3A_243] : memref<100000x128xf32, #tpu.memory_space<hbm>> -> memref<120x128xf32, #tpu.memory_space<hbm>>
    tpu.wait_dma2 semaphore(%arg13 : memref<!tpu.dma_semaphore, #tpu.memory_space<semaphore_mem>>) src(%dma_wait3A_244 : memref<120x128xf32, #tpu.memory_space<hbm>>) dst(%arg9 : memref<120x128xf32, #tpu.memory_space<vmem>>)
    %dma_start3A_245 = arith.constant 0 : i32
    %dma_start3A_246 = arith.constant 0 : i32
    %dma_start3A_247 = tpu.memref_slice %arg9[%dma_start3A_245, %dma_start3A_246] : memref<120x128xf32, #tpu.memory_space<vmem>> -> memref<8x128xf32, #tpu.memory_space<vmem>>
    %dma_start3A_248 = arith.constant 0 : i32
    %dma_start3A_249 = tpu.memref_slice %arg4[%add3A_6, %dma_start3A_248] : memref<100000x128xf32, #tpu.memory_space<hbm>> -> memref<8x128xf32, #tpu.memory_space<hbm>>
    %dma_start3A_250 = arith.constant 0 : i32
    %dma_start3A_251 = tpu.memref_slice %arg4[%add3A_6, %dma_start3A_250] : memref<100000x128xf32, #tpu.memory_space<hbm>> -> memref<8x128xf32, #tpu.memory_space<hbm>>
    %dma_start3A_252 = arith.constant 0 : i32
    %dma_start3A_253 = arith.constant 0 : i32
    %dma_start3A_254 = tpu.memref_slice %arg9[%dma_start3A_252, %dma_start3A_253] : memref<120x128xf32, #tpu.memory_space<vmem>> -> memref<8x128xf32, #tpu.memory_space<vmem>>
    tpu.enqueue_dma source(%dma_start3A_254 : memref<8x128xf32, #tpu.memory_space<vmem>>) target(%dma_start3A_251 : memref<8x128xf32, #tpu.memory_space<hbm>>) target_semaphore(%arg17 : memref<!tpu.dma_semaphore, #tpu.memory_space<semaphore_mem>>)
    %dma_wait3A_255 = arith.constant 0 : i32
    %dma_wait3A_256 = arith.constant 0 : i32
    %dma_wait3A_257 = tpu.memref_slice %arg8[%dma_wait3A_255, %dma_wait3A_256] : memref<120x128xf32, #tpu.memory_space<vmem>> -> memref<8x128xf32, #tpu.memory_space<vmem>>
    %dma_wait3A_258 = arith.constant 0 : i32
    %dma_wait3A_259 = arith.constant 0 : i32
    %dma_wait3A_260 = tpu.memref_slice %arg4[%dma_wait3A_258, %dma_wait3A_259] : memref<100000x128xf32, #tpu.memory_space<hbm>> -> memref<8x128xf32, #tpu.memory_space<hbm>>
    %dma_wait3A_261 = arith.constant 0 : i32
    %dma_wait3A_262 = arith.constant 0 : i32
    %dma_wait3A_263 = tpu.memref_slice %arg4[%dma_wait3A_261, %dma_wait3A_262] : memref<100000x128xf32, #tpu.memory_space<hbm>> -> memref<8x128xf32, #tpu.memory_space<hbm>>
    %dma_wait3A_264 = arith.constant 0 : i32
    %dma_wait3A_265 = arith.constant 0 : i32
    %dma_wait3A_266 = tpu.memref_slice %arg8[%dma_wait3A_264, %dma_wait3A_265] : memref<120x128xf32, #tpu.memory_space<vmem>> -> memref<8x128xf32, #tpu.memory_space<vmem>>
    tpu.wait_dma2 semaphore(%arg16 : memref<!tpu.dma_semaphore, #tpu.memory_space<semaphore_mem>>) src(%dma_wait3A_266 : memref<8x128xf32, #tpu.memory_space<vmem>>) dst(%dma_wait3A_263 : memref<8x128xf32, #tpu.memory_space<hbm>>)
    %dma_start3A_267 = arith.constant 1200 : i32
    %dma_start3A_268 = tpu.memref_slice %arg5[%dma_start3A_267] : memref<3128xi32, #tpu.memory_space<vmem>> -> memref<120xi32, #tpu.memory_space<vmem>>
    %dma_start3A_269 = arith.constant 0 : i32
    %dma_start3A_270 = arith.constant 0 : i32
    %dma_start3A_271 = tpu.memref_slice %arg3[%dma_start3A_269, %dma_start3A_270] : memref<100000x128xf32, #tpu.memory_space<hbm>> -> memref<100000x128xf32, #tpu.memory_space<hbm>>
    tpu.enqueue_indirect_dma source(%dma_start3A_271 : memref<100000x128xf32, #tpu.memory_space<hbm>>) target(%arg8 : memref<120x128xf32, #tpu.memory_space<vmem>>) offsets(%dma_start3A_268 : memref<120xi32, #tpu.memory_space<vmem>>) semaphore(%arg12 : memref<!tpu.dma_semaphore, #tpu.memory_space<semaphore_mem>>)
    %dma_wait3A_272 = arith.constant 0 : i32
    %dma_wait3A_273 = arith.constant 0 : i32
    %dma_wait3A_274 = tpu.memref_slice %arg3[%dma_wait3A_272, %dma_wait3A_273] : memref<100000x128xf32, #tpu.memory_space<hbm>> -> memref<120x128xf32, #tpu.memory_space<hbm>>
    %dma_wait3A_275 = arith.constant 0 : i32
    %dma_wait3A_276 = arith.constant 0 : i32
    %dma_wait3A_277 = tpu.memref_slice %arg3[%dma_wait3A_275, %dma_wait3A_276] : memref<100000x128xf32, #tpu.memory_space<hbm>> -> memref<120x128xf32, #tpu.memory_space<hbm>>
    tpu.wait_dma2 semaphore(%arg10 : memref<!tpu.dma_semaphore, #tpu.memory_space<semaphore_mem>>) src(%dma_wait3A_277 : memref<120x128xf32, #tpu.memory_space<hbm>>) dst(%arg6 : memref<120x128xf32, #tpu.memory_space<vmem>>)
    %dma_start3A_278 = arith.constant 0 : i32
    %dma_start3A_279 = arith.constant 0 : i32
    %dma_start3A_280 = tpu.memref_slice %arg6[%dma_start3A_278, %dma_start3A_279] : memref<120x128xf32, #tpu.memory_space<vmem>> -> memref<8x128xf32, #tpu.memory_space<vmem>>
    %dma_start3A_281 = arith.constant 0 : i32
    %dma_start3A_282 = tpu.memref_slice %arg4[%add3A_6, %dma_start3A_281] : memref<100000x128xf32, #tpu.memory_space<hbm>> -> memref<8x128xf32, #tpu.memory_space<hbm>>
    %dma_start3A_283 = arith.constant 0 : i32
    %dma_start3A_284 = tpu.memref_slice %arg4[%add3A_6, %dma_start3A_283] : memref<100000x128xf32, #tpu.memory_space<hbm>> -> memref<8x128xf32, #tpu.memory_space<hbm>>
    %dma_start3A_285 = arith.constant 0 : i32
    %dma_start3A_286 = arith.constant 0 : i32
    %dma_start3A_287 = tpu.memref_slice %arg6[%dma_start3A_285, %dma_start3A_286] : memref<120x128xf32, #tpu.memory_space<vmem>> -> memref<8x128xf32, #tpu.memory_space<vmem>>
    tpu.enqueue_dma source(%dma_start3A_287 : memref<8x128xf32, #tpu.memory_space<vmem>>) target(%dma_start3A_284 : memref<8x128xf32, #tpu.memory_space<hbm>>) target_semaphore(%arg14 : memref<!tpu.dma_semaphore, #tpu.memory_space<semaphore_mem>>)
    %dma_wait3A_288 = arith.constant 0 : i32
    %dma_wait3A_289 = arith.constant 0 : i32
    %dma_wait3A_290 = tpu.memref_slice %arg9[%dma_wait3A_288, %dma_wait3A_289] : memref<120x128xf32, #tpu.memory_space<vmem>> -> memref<8x128xf32, #tpu.memory_space<vmem>>
    %dma_wait3A_291 = arith.constant 0 : i32
    %dma_wait3A_292 = arith.constant 0 : i32
    %dma_wait3A_293 = tpu.memref_slice %arg4[%dma_wait3A_291, %dma_wait3A_292] : memref<100000x128xf32, #tpu.memory_space<hbm>> -> memref<8x128xf32, #tpu.memory_space<hbm>>
    %dma_wait3A_294 = arith.constant 0 : i32
    %dma_wait3A_295 = arith.constant 0 : i32
    %dma_wait3A_296 = tpu.memref_slice %arg4[%dma_wait3A_294, %dma_wait3A_295] : memref<100000x128xf32, #tpu.memory_space<hbm>> -> memref<8x128xf32, #tpu.memory_space<hbm>>
    %dma_wait3A_297 = arith.constant 0 : i32
    %dma_wait3A_298 = arith.constant 0 : i32
    %dma_wait3A_299 = tpu.memref_slice %arg9[%dma_wait3A_297, %dma_wait3A_298] : memref<120x128xf32, #tpu.memory_space<vmem>> -> memref<8x128xf32, #tpu.memory_space<vmem>>
    tpu.wait_dma2 semaphore(%arg17 : memref<!tpu.dma_semaphore, #tpu.memory_space<semaphore_mem>>) src(%dma_wait3A_299 : memref<8x128xf32, #tpu.memory_space<vmem>>) dst(%dma_wait3A_296 : memref<8x128xf32, #tpu.memory_space<hbm>>)
    %dma_start3A_300 = arith.constant 1320 : i32
    %dma_start3A_301 = tpu.memref_slice %arg5[%dma_start3A_300] : memref<3128xi32, #tpu.memory_space<vmem>> -> memref<120xi32, #tpu.memory_space<vmem>>
    %dma_start3A_302 = arith.constant 0 : i32
    %dma_start3A_303 = arith.constant 0 : i32
    %dma_start3A_304 = tpu.memref_slice %arg3[%dma_start3A_302, %dma_start3A_303] : memref<100000x128xf32, #tpu.memory_space<hbm>> -> memref<100000x128xf32, #tpu.memory_space<hbm>>
    tpu.enqueue_indirect_dma source(%dma_start3A_304 : memref<100000x128xf32, #tpu.memory_space<hbm>>) target(%arg9 : memref<120x128xf32, #tpu.memory_space<vmem>>) offsets(%dma_start3A_301 : memref<120xi32, #tpu.memory_space<vmem>>) semaphore(%arg13 : memref<!tpu.dma_semaphore, #tpu.memory_space<semaphore_mem>>)
    %dma_wait3A_305 = arith.constant 0 : i32
    %dma_wait3A_306 = arith.constant 0 : i32
    %dma_wait3A_307 = tpu.memref_slice %arg3[%dma_wait3A_305, %dma_wait3A_306] : memref<100000x128xf32, #tpu.memory_space<hbm>> -> memref<120x128xf32, #tpu.memory_space<hbm>>
    %dma_wait3A_308 = arith.constant 0 : i32
    %dma_wait3A_309 = arith.constant 0 : i32
    %dma_wait3A_310 = tpu.memref_slice %arg3[%dma_wait3A_308, %dma_wait3A_309] : memref<100000x128xf32, #tpu.memory_space<hbm>> -> memref<120x128xf32, #tpu.memory_space<hbm>>
    tpu.wait_dma2 semaphore(%arg11 : memref<!tpu.dma_semaphore, #tpu.memory_space<semaphore_mem>>) src(%dma_wait3A_310 : memref<120x128xf32, #tpu.memory_space<hbm>>) dst(%arg7 : memref<120x128xf32, #tpu.memory_space<vmem>>)
    %dma_start3A_311 = arith.constant 0 : i32
    %dma_start3A_312 = arith.constant 0 : i32
    %dma_start3A_313 = tpu.memref_slice %arg7[%dma_start3A_311, %dma_start3A_312] : memref<120x128xf32, #tpu.memory_space<vmem>> -> memref<8x128xf32, #tpu.memory_space<vmem>>
    %dma_start3A_314 = arith.constant 0 : i32
    %dma_start3A_315 = tpu.memref_slice %arg4[%add3A_6, %dma_start3A_314] : memref<100000x128xf32, #tpu.memory_space<hbm>> -> memref<8x128xf32, #tpu.memory_space<hbm>>
    %dma_start3A_316 = arith.constant 0 : i32
    %dma_start3A_317 = tpu.memref_slice %arg4[%add3A_6, %dma_start3A_316] : memref<100000x128xf32, #tpu.memory_space<hbm>> -> memref<8x128xf32, #tpu.memory_space<hbm>>
    %dma_start3A_318 = arith.constant 0 : i32
    %dma_start3A_319 = arith.constant 0 : i32
    %dma_start3A_320 = tpu.memref_slice %arg7[%dma_start3A_318, %dma_start3A_319] : memref<120x128xf32, #tpu.memory_space<vmem>> -> memref<8x128xf32, #tpu.memory_space<vmem>>
    tpu.enqueue_dma source(%dma_start3A_320 : memref<8x128xf32, #tpu.memory_space<vmem>>) target(%dma_start3A_317 : memref<8x128xf32, #tpu.memory_space<hbm>>) target_semaphore(%arg15 : memref<!tpu.dma_semaphore, #tpu.memory_space<semaphore_mem>>)
    %dma_wait3A_321 = arith.constant 0 : i32
    %dma_wait3A_322 = arith.constant 0 : i32
    %dma_wait3A_323 = tpu.memref_slice %arg6[%dma_wait3A_321, %dma_wait3A_322] : memref<120x128xf32, #tpu.memory_space<vmem>> -> memref<8x128xf32, #tpu.memory_space<vmem>>
    %dma_wait3A_324 = arith.constant 0 : i32
    %dma_wait3A_325 = arith.constant 0 : i32
    %dma_wait3A_326 = tpu.memref_slice %arg4[%dma_wait3A_324, %dma_wait3A_325] : memref<100000x128xf32, #tpu.memory_space<hbm>> -> memref<8x128xf32, #tpu.memory_space<hbm>>
    %dma_wait3A_327 = arith.constant 0 : i32
    %dma_wait3A_328 = arith.constant 0 : i32
    %dma_wait3A_329 = tpu.memref_slice %arg4[%dma_wait3A_327, %dma_wait3A_328] : memref<100000x128xf32, #tpu.memory_space<hbm>> -> memref<8x128xf32, #tpu.memory_space<hbm>>
    %dma_wait3A_330 = arith.constant 0 : i32
    %dma_wait3A_331 = arith.constant 0 : i32
    %dma_wait3A_332 = tpu.memref_slice %arg6[%dma_wait3A_330, %dma_wait3A_331] : memref<120x128xf32, #tpu.memory_space<vmem>> -> memref<8x128xf32, #tpu.memory_space<vmem>>
    tpu.wait_dma2 semaphore(%arg14 : memref<!tpu.dma_semaphore, #tpu.memory_space<semaphore_mem>>) src(%dma_wait3A_332 : memref<8x128xf32, #tpu.memory_space<vmem>>) dst(%dma_wait3A_329 : memref<8x128xf32, #tpu.memory_space<hbm>>)
    %dma_start3A_333 = arith.constant 1440 : i32
    %dma_start3A_334 = tpu.memref_slice %arg5[%dma_start3A_333] : memref<3128xi32, #tpu.memory_space<vmem>> -> memref<120xi32, #tpu.memory_space<vmem>>
    %dma_start3A_335 = arith.constant 0 : i32
    %dma_start3A_336 = arith.constant 0 : i32
    %dma_start3A_337 = tpu.memref_slice %arg3[%dma_start3A_335, %dma_start3A_336] : memref<100000x128xf32, #tpu.memory_space<hbm>> -> memref<100000x128xf32, #tpu.memory_space<hbm>>
    tpu.enqueue_indirect_dma source(%dma_start3A_337 : memref<100000x128xf32, #tpu.memory_space<hbm>>) target(%arg6 : memref<120x128xf32, #tpu.memory_space<vmem>>) offsets(%dma_start3A_334 : memref<120xi32, #tpu.memory_space<vmem>>) semaphore(%arg10 : memref<!tpu.dma_semaphore, #tpu.memory_space<semaphore_mem>>)
    %dma_wait3A_338 = arith.constant 0 : i32
    %dma_wait3A_339 = arith.constant 0 : i32
    %dma_wait3A_340 = tpu.memref_slice %arg3[%dma_wait3A_338, %dma_wait3A_339] : memref<100000x128xf32, #tpu.memory_space<hbm>> -> memref<120x128xf32, #tpu.memory_space<hbm>>
    %dma_wait3A_341 = arith.constant 0 : i32
    %dma_wait3A_342 = arith.constant 0 : i32
    %dma_wait3A_343 = tpu.memref_slice %arg3[%dma_wait3A_341, %dma_wait3A_342] : memref<100000x128xf32, #tpu.memory_space<hbm>> -> memref<120x128xf32, #tpu.memory_space<hbm>>
    tpu.wait_dma2 semaphore(%arg12 : memref<!tpu.dma_semaphore, #tpu.memory_space<semaphore_mem>>) src(%dma_wait3A_343 : memref<120x128xf32, #tpu.memory_space<hbm>>) dst(%arg8 : memref<120x128xf32, #tpu.memory_space<vmem>>)
    %dma_start3A_344 = arith.constant 0 : i32
    %dma_start3A_345 = arith.constant 0 : i32
    %dma_start3A_346 = tpu.memref_slice %arg8[%dma_start3A_344, %dma_start3A_345] : memref<120x128xf32, #tpu.memory_space<vmem>> -> memref<8x128xf32, #tpu.memory_space<vmem>>
    %dma_start3A_347 = arith.constant 0 : i32
    %dma_start3A_348 = tpu.memref_slice %arg4[%add3A_6, %dma_start3A_347] : memref<100000x128xf32, #tpu.memory_space<hbm>> -> memref<8x128xf32, #tpu.memory_space<hbm>>
    %dma_start3A_349 = arith.constant 0 : i32
    %dma_start3A_350 = tpu.memref_slice %arg4[%add3A_6, %dma_start3A_349] : memref<100000x128xf32, #tpu.memory_space<hbm>> -> memref<8x128xf32, #tpu.memory_space<hbm>>
    %dma_start3A_351 = arith.constant 0 : i32
    %dma_start3A_352 = arith.constant 0 : i32
    %dma_start3A_353 = tpu.memref_slice %arg8[%dma_start3A_351, %dma_start3A_352] : memref<120x128xf32, #tpu.memory_space<vmem>> -> memref<8x128xf32, #tpu.memory_space<vmem>>
    tpu.enqueue_dma source(%dma_start3A_353 : memref<8x128xf32, #tpu.memory_space<vmem>>) target(%dma_start3A_350 : memref<8x128xf32, #tpu.memory_space<hbm>>) target_semaphore(%arg16 : memref<!tpu.dma_semaphore, #tpu.memory_space<semaphore_mem>>)
    %dma_wait3A_354 = arith.constant 0 : i32
    %dma_wait3A_355 = arith.constant 0 : i32
    %dma_wait3A_356 = tpu.memref_slice %arg7[%dma_wait3A_354, %dma_wait3A_355] : memref<120x128xf32, #tpu.memory_space<vmem>> -> memref<8x128xf32, #tpu.memory_space<vmem>>
    %dma_wait3A_357 = arith.constant 0 : i32
    %dma_wait3A_358 = arith.constant 0 : i32
    %dma_wait3A_359 = tpu.memref_slice %arg4[%dma_wait3A_357, %dma_wait3A_358] : memref<100000x128xf32, #tpu.memory_space<hbm>> -> memref<8x128xf32, #tpu.memory_space<hbm>>
    %dma_wait3A_360 = arith.constant 0 : i32
    %dma_wait3A_361 = arith.constant 0 : i32
    %dma_wait3A_362 = tpu.memref_slice %arg4[%dma_wait3A_360, %dma_wait3A_361] : memref<100000x128xf32, #tpu.memory_space<hbm>> -> memref<8x128xf32, #tpu.memory_space<hbm>>
    %dma_wait3A_363 = arith.constant 0 : i32
    %dma_wait3A_364 = arith.constant 0 : i32
    %dma_wait3A_365 = tpu.memref_slice %arg7[%dma_wait3A_363, %dma_wait3A_364] : memref<120x128xf32, #tpu.memory_space<vmem>> -> memref<8x128xf32, #tpu.memory_space<vmem>>
    tpu.wait_dma2 semaphore(%arg15 : memref<!tpu.dma_semaphore, #tpu.memory_space<semaphore_mem>>) src(%dma_wait3A_365 : memref<8x128xf32, #tpu.memory_space<vmem>>) dst(%dma_wait3A_362 : memref<8x128xf32, #tpu.memory_space<hbm>>)
    %dma_start3A_366 = arith.constant 1560 : i32
    %dma_start3A_367 = tpu.memref_slice %arg5[%dma_start3A_366] : memref<3128xi32, #tpu.memory_space<vmem>> -> memref<120xi32, #tpu.memory_space<vmem>>
    %dma_start3A_368 = arith.constant 0 : i32
    %dma_start3A_369 = arith.constant 0 : i32
    %dma_start3A_370 = tpu.memref_slice %arg3[%dma_start3A_368, %dma_start3A_369] : memref<100000x128xf32, #tpu.memory_space<hbm>> -> memref<100000x128xf32, #tpu.memory_space<hbm>>
    tpu.enqueue_indirect_dma source(%dma_start3A_370 : memref<100000x128xf32, #tpu.memory_space<hbm>>) target(%arg7 : memref<120x128xf32, #tpu.memory_space<vmem>>) offsets(%dma_start3A_367 : memref<120xi32, #tpu.memory_space<vmem>>) semaphore(%arg11 : memref<!tpu.dma_semaphore, #tpu.memory_space<semaphore_mem>>)
    %dma_wait3A_371 = arith.constant 0 : i32
    %dma_wait3A_372 = arith.constant 0 : i32
    %dma_wait3A_373 = tpu.memref_slice %arg3[%dma_wait3A_371, %dma_wait3A_372] : memref<100000x128xf32, #tpu.memory_space<hbm>> -> memref<120x128xf32, #tpu.memory_space<hbm>>
    %dma_wait3A_374 = arith.constant 0 : i32
    %dma_wait3A_375 = arith.constant 0 : i32
    %dma_wait3A_376 = tpu.memref_slice %arg3[%dma_wait3A_374, %dma_wait3A_375] : memref<100000x128xf32, #tpu.memory_space<hbm>> -> memref<120x128xf32, #tpu.memory_space<hbm>>
    tpu.wait_dma2 semaphore(%arg13 : memref<!tpu.dma_semaphore, #tpu.memory_space<semaphore_mem>>) src(%dma_wait3A_376 : memref<120x128xf32, #tpu.memory_space<hbm>>) dst(%arg9 : memref<120x128xf32, #tpu.memory_space<vmem>>)
    %dma_start3A_377 = arith.constant 0 : i32
    %dma_start3A_378 = arith.constant 0 : i32
    %dma_start3A_379 = tpu.memref_slice %arg9[%dma_start3A_377, %dma_start3A_378] : memref<120x128xf32, #tpu.memory_space<vmem>> -> memref<8x128xf32, #tpu.memory_space<vmem>>
    %dma_start3A_380 = arith.constant 0 : i32
    %dma_start3A_381 = tpu.memref_slice %arg4[%add3A_6, %dma_start3A_380] : memref<100000x128xf32, #tpu.memory_space<hbm>> -> memref<8x128xf32, #tpu.memory_space<hbm>>
    %dma_start3A_382 = arith.constant 0 : i32
    %dma_start3A_383 = tpu.memref_slice %arg4[%add3A_6, %dma_start3A_382] : memref<100000x128xf32, #tpu.memory_space<hbm>> -> memref<8x128xf32, #tpu.memory_space<hbm>>
    %dma_start3A_384 = arith.constant 0 : i32
    %dma_start3A_385 = arith.constant 0 : i32
    %dma_start3A_386 = tpu.memref_slice %arg9[%dma_start3A_384, %dma_start3A_385] : memref<120x128xf32, #tpu.memory_space<vmem>> -> memref<8x128xf32, #tpu.memory_space<vmem>>
    tpu.enqueue_dma source(%dma_start3A_386 : memref<8x128xf32, #tpu.memory_space<vmem>>) target(%dma_start3A_383 : memref<8x128xf32, #tpu.memory_space<hbm>>) target_semaphore(%arg17 : memref<!tpu.dma_semaphore, #tpu.memory_space<semaphore_mem>>)
    %dma_wait3A_387 = arith.constant 0 : i32
    %dma_wait3A_388 = arith.constant 0 : i32
    %dma_wait3A_389 = tpu.memref_slice %arg8[%dma_wait3A_387, %dma_wait3A_388] : memref<120x128xf32, #tpu.memory_space<vmem>> -> memref<8x128xf32, #tpu.memory_space<vmem>>
    %dma_wait3A_390 = arith.constant 0 : i32
    %dma_wait3A_391 = arith.constant 0 : i32
    %dma_wait3A_392 = tpu.memref_slice %arg4[%dma_wait3A_390, %dma_wait3A_391] : memref<100000x128xf32, #tpu.memory_space<hbm>> -> memref<8x128xf32, #tpu.memory_space<hbm>>
    %dma_wait3A_393 = arith.constant 0 : i32
    %dma_wait3A_394 = arith.constant 0 : i32
    %dma_wait3A_395 = tpu.memref_slice %arg4[%dma_wait3A_393, %dma_wait3A_394] : memref<100000x128xf32, #tpu.memory_space<hbm>> -> memref<8x128xf32, #tpu.memory_space<hbm>>
    %dma_wait3A_396 = arith.constant 0 : i32
    %dma_wait3A_397 = arith.constant 0 : i32
    %dma_wait3A_398 = tpu.memref_slice %arg8[%dma_wait3A_396, %dma_wait3A_397] : memref<120x128xf32, #tpu.memory_space<vmem>> -> memref<8x128xf32, #tpu.memory_space<vmem>>
    tpu.wait_dma2 semaphore(%arg16 : memref<!tpu.dma_semaphore, #tpu.memory_space<semaphore_mem>>) src(%dma_wait3A_398 : memref<8x128xf32, #tpu.memory_space<vmem>>) dst(%dma_wait3A_395 : memref<8x128xf32, #tpu.memory_space<hbm>>)
    %dma_start3A_399 = arith.constant 1680 : i32
    %dma_start3A_400 = tpu.memref_slice %arg5[%dma_start3A_399] : memref<3128xi32, #tpu.memory_space<vmem>> -> memref<120xi32, #tpu.memory_space<vmem>>
    %dma_start3A_401 = arith.constant 0 : i32
    %dma_start3A_402 = arith.constant 0 : i32
    %dma_start3A_403 = tpu.memref_slice %arg3[%dma_start3A_401, %dma_start3A_402] : memref<100000x128xf32, #tpu.memory_space<hbm>> -> memref<100000x128xf32, #tpu.memory_space<hbm>>
    tpu.enqueue_indirect_dma source(%dma_start3A_403 : memref<100000x128xf32, #tpu.memory_space<hbm>>) target(%arg8 : memref<120x128xf32, #tpu.memory_space<vmem>>) offsets(%dma_start3A_400 : memref<120xi32, #tpu.memory_space<vmem>>) semaphore(%arg12 : memref<!tpu.dma_semaphore, #tpu.memory_space<semaphore_mem>>)
    %dma_wait3A_404 = arith.constant 0 : i32
    %dma_wait3A_405 = arith.constant 0 : i32
    %dma_wait3A_406 = tpu.memref_slice %arg3[%dma_wait3A_404, %dma_wait3A_405] : memref<100000x128xf32, #tpu.memory_space<hbm>> -> memref<120x128xf32, #tpu.memory_space<hbm>>
    %dma_wait3A_407 = arith.constant 0 : i32
    %dma_wait3A_408 = arith.constant 0 : i32
    %dma_wait3A_409 = tpu.memref_slice %arg3[%dma_wait3A_407, %dma_wait3A_408] : memref<100000x128xf32, #tpu.memory_space<hbm>> -> memref<120x128xf32, #tpu.memory_space<hbm>>
    tpu.wait_dma2 semaphore(%arg10 : memref<!tpu.dma_semaphore, #tpu.memory_space<semaphore_mem>>) src(%dma_wait3A_409 : memref<120x128xf32, #tpu.memory_space<hbm>>) dst(%arg6 : memref<120x128xf32, #tpu.memory_space<vmem>>)
    %dma_start3A_410 = arith.constant 0 : i32
    %dma_start3A_411 = arith.constant 0 : i32
    %dma_start3A_412 = tpu.memref_slice %arg6[%dma_start3A_410, %dma_start3A_411] : memref<120x128xf32, #tpu.memory_space<vmem>> -> memref<8x128xf32, #tpu.memory_space<vmem>>
    %dma_start3A_413 = arith.constant 0 : i32
    %dma_start3A_414 = tpu.memref_slice %arg4[%add3A_6, %dma_start3A_413] : memref<100000x128xf32, #tpu.memory_space<hbm>> -> memref<8x128xf32, #tpu.memory_space<hbm>>
    %dma_start3A_415 = arith.constant 0 : i32
    %dma_start3A_416 = tpu.memref_slice %arg4[%add3A_6, %dma_start3A_415] : memref<100000x128xf32, #tpu.memory_space<hbm>> -> memref<8x128xf32, #tpu.memory_space<hbm>>
    %dma_start3A_417 = arith.constant 0 : i32
    %dma_start3A_418 = arith.constant 0 : i32
    %dma_start3A_419 = tpu.memref_slice %arg6[%dma_start3A_417, %dma_start3A_418] : memref<120x128xf32, #tpu.memory_space<vmem>> -> memref<8x128xf32, #tpu.memory_space<vmem>>
    tpu.enqueue_dma source(%dma_start3A_419 : memref<8x128xf32, #tpu.memory_space<vmem>>) target(%dma_start3A_416 : memref<8x128xf32, #tpu.memory_space<hbm>>) target_semaphore(%arg14 : memref<!tpu.dma_semaphore, #tpu.memory_space<semaphore_mem>>)
    %dma_wait3A_420 = arith.constant 0 : i32
    %dma_wait3A_421 = arith.constant 0 : i32
    %dma_wait3A_422 = tpu.memref_slice %arg9[%dma_wait3A_420, %dma_wait3A_421] : memref<120x128xf32, #tpu.memory_space<vmem>> -> memref<8x128xf32, #tpu.memory_space<vmem>>
    %dma_wait3A_423 = arith.constant 0 : i32
    %dma_wait3A_424 = arith.constant 0 : i32
    %dma_wait3A_425 = tpu.memref_slice %arg4[%dma_wait3A_423, %dma_wait3A_424] : memref<100000x128xf32, #tpu.memory_space<hbm>> -> memref<8x128xf32, #tpu.memory_space<hbm>>
    %dma_wait3A_426 = arith.constant 0 : i32
    %dma_wait3A_427 = arith.constant 0 : i32
    %dma_wait3A_428 = tpu.memref_slice %arg4[%dma_wait3A_426, %dma_wait3A_427] : memref<100000x128xf32, #tpu.memory_space<hbm>> -> memref<8x128xf32, #tpu.memory_space<hbm>>
    %dma_wait3A_429 = arith.constant 0 : i32
    %dma_wait3A_430 = arith.constant 0 : i32
    %dma_wait3A_431 = tpu.memref_slice %arg9[%dma_wait3A_429, %dma_wait3A_430] : memref<120x128xf32, #tpu.memory_space<vmem>> -> memref<8x128xf32, #tpu.memory_space<vmem>>
    tpu.wait_dma2 semaphore(%arg17 : memref<!tpu.dma_semaphore, #tpu.memory_space<semaphore_mem>>) src(%dma_wait3A_431 : memref<8x128xf32, #tpu.memory_space<vmem>>) dst(%dma_wait3A_428 : memref<8x128xf32, #tpu.memory_space<hbm>>)
    %dma_start3A_432 = arith.constant 1800 : i32
    %dma_start3A_433 = tpu.memref_slice %arg5[%dma_start3A_432] : memref<3128xi32, #tpu.memory_space<vmem>> -> memref<120xi32, #tpu.memory_space<vmem>>
    %dma_start3A_434 = arith.constant 0 : i32
    %dma_start3A_435 = arith.constant 0 : i32
    %dma_start3A_436 = tpu.memref_slice %arg3[%dma_start3A_434, %dma_start3A_435] : memref<100000x128xf32, #tpu.memory_space<hbm>> -> memref<100000x128xf32, #tpu.memory_space<hbm>>
    tpu.enqueue_indirect_dma source(%dma_start3A_436 : memref<100000x128xf32, #tpu.memory_space<hbm>>) target(%arg9 : memref<120x128xf32, #tpu.memory_space<vmem>>) offsets(%dma_start3A_433 : memref<120xi32, #tpu.memory_space<vmem>>) semaphore(%arg13 : memref<!tpu.dma_semaphore, #tpu.memory_space<semaphore_mem>>)
    %dma_wait3A_437 = arith.constant 0 : i32
    %dma_wait3A_438 = arith.constant 0 : i32
    %dma_wait3A_439 = tpu.memref_slice %arg3[%dma_wait3A_437, %dma_wait3A_438] : memref<100000x128xf32, #tpu.memory_space<hbm>> -> memref<120x128xf32, #tpu.memory_space<hbm>>
    %dma_wait3A_440 = arith.constant 0 : i32
    %dma_wait3A_441 = arith.constant 0 : i32
    %dma_wait3A_442 = tpu.memref_slice %arg3[%dma_wait3A_440, %dma_wait3A_441] : memref<100000x128xf32, #tpu.memory_space<hbm>> -> memref<120x128xf32, #tpu.memory_space<hbm>>
    tpu.wait_dma2 semaphore(%arg11 : memref<!tpu.dma_semaphore, #tpu.memory_space<semaphore_mem>>) src(%dma_wait3A_442 : memref<120x128xf32, #tpu.memory_space<hbm>>) dst(%arg7 : memref<120x128xf32, #tpu.memory_space<vmem>>)
    %dma_start3A_443 = arith.constant 0 : i32
    %dma_start3A_444 = arith.constant 0 : i32
    %dma_start3A_445 = tpu.memref_slice %arg7[%dma_start3A_443, %dma_start3A_444] : memref<120x128xf32, #tpu.memory_space<vmem>> -> memref<8x128xf32, #tpu.memory_space<vmem>>
    %dma_start3A_446 = arith.constant 0 : i32
    %dma_start3A_447 = tpu.memref_slice %arg4[%add3A_6, %dma_start3A_446] : memref<100000x128xf32, #tpu.memory_space<hbm>> -> memref<8x128xf32, #tpu.memory_space<hbm>>
    %dma_start3A_448 = arith.constant 0 : i32
    %dma_start3A_449 = tpu.memref_slice %arg4[%add3A_6, %dma_start3A_448] : memref<100000x128xf32, #tpu.memory_space<hbm>> -> memref<8x128xf32, #tpu.memory_space<hbm>>
    %dma_start3A_450 = arith.constant 0 : i32
    %dma_start3A_451 = arith.constant 0 : i32
    %dma_start3A_452 = tpu.memref_slice %arg7[%dma_start3A_450, %dma_start3A_451] : memref<120x128xf32, #tpu.memory_space<vmem>> -> memref<8x128xf32, #tpu.memory_space<vmem>>
    tpu.enqueue_dma source(%dma_start3A_452 : memref<8x128xf32, #tpu.memory_space<vmem>>) target(%dma_start3A_449 : memref<8x128xf32, #tpu.memory_space<hbm>>) target_semaphore(%arg15 : memref<!tpu.dma_semaphore, #tpu.memory_space<semaphore_mem>>)
    %dma_wait3A_453 = arith.constant 0 : i32
    %dma_wait3A_454 = arith.constant 0 : i32
    %dma_wait3A_455 = tpu.memref_slice %arg6[%dma_wait3A_453, %dma_wait3A_454] : memref<120x128xf32, #tpu.memory_space<vmem>> -> memref<8x128xf32, #tpu.memory_space<vmem>>
    %dma_wait3A_456 = arith.constant 0 : i32
    %dma_wait3A_457 = arith.constant 0 : i32
    %dma_wait3A_458 = tpu.memref_slice %arg4[%dma_wait3A_456, %dma_wait3A_457] : memref<100000x128xf32, #tpu.memory_space<hbm>> -> memref<8x128xf32, #tpu.memory_space<hbm>>
    %dma_wait3A_459 = arith.constant 0 : i32
    %dma_wait3A_460 = arith.constant 0 : i32
    %dma_wait3A_461 = tpu.memref_slice %arg4[%dma_wait3A_459, %dma_wait3A_460] : memref<100000x128xf32, #tpu.memory_space<hbm>> -> memref<8x128xf32, #tpu.memory_space<hbm>>
    %dma_wait3A_462 = arith.constant 0 : i32
    %dma_wait3A_463 = arith.constant 0 : i32
    %dma_wait3A_464 = tpu.memref_slice %arg6[%dma_wait3A_462, %dma_wait3A_463] : memref<120x128xf32, #tpu.memory_space<vmem>> -> memref<8x128xf32, #tpu.memory_space<vmem>>
    tpu.wait_dma2 semaphore(%arg14 : memref<!tpu.dma_semaphore, #tpu.memory_space<semaphore_mem>>) src(%dma_wait3A_464 : memref<8x128xf32, #tpu.memory_space<vmem>>) dst(%dma_wait3A_461 : memref<8x128xf32, #tpu.memory_space<hbm>>)
    %dma_start3A_465 = arith.constant 1920 : i32
    %dma_start3A_466 = tpu.memref_slice %arg5[%dma_start3A_465] : memref<3128xi32, #tpu.memory_space<vmem>> -> memref<120xi32, #tpu.memory_space<vmem>>
    %dma_start3A_467 = arith.constant 0 : i32
    %dma_start3A_468 = arith.constant 0 : i32
    %dma_start3A_469 = tpu.memref_slice %arg3[%dma_start3A_467, %dma_start3A_468] : memref<100000x128xf32, #tpu.memory_space<hbm>> -> memref<100000x128xf32, #tpu.memory_space<hbm>>
    tpu.enqueue_indirect_dma source(%dma_start3A_469 : memref<100000x128xf32, #tpu.memory_space<hbm>>) target(%arg6 : memref<120x128xf32, #tpu.memory_space<vmem>>) offsets(%dma_start3A_466 : memref<120xi32, #tpu.memory_space<vmem>>) semaphore(%arg10 : memref<!tpu.dma_semaphore, #tpu.memory_space<semaphore_mem>>)
    %dma_wait3A_470 = arith.constant 0 : i32
    %dma_wait3A_471 = arith.constant 0 : i32
    %dma_wait3A_472 = tpu.memref_slice %arg3[%dma_wait3A_470, %dma_wait3A_471] : memref<100000x128xf32, #tpu.memory_space<hbm>> -> memref<120x128xf32, #tpu.memory_space<hbm>>
    %dma_wait3A_473 = arith.constant 0 : i32
    %dma_wait3A_474 = arith.constant 0 : i32
    %dma_wait3A_475 = tpu.memref_slice %arg3[%dma_wait3A_473, %dma_wait3A_474] : memref<100000x128xf32, #tpu.memory_space<hbm>> -> memref<120x128xf32, #tpu.memory_space<hbm>>
    tpu.wait_dma2 semaphore(%arg12 : memref<!tpu.dma_semaphore, #tpu.memory_space<semaphore_mem>>) src(%dma_wait3A_475 : memref<120x128xf32, #tpu.memory_space<hbm>>) dst(%arg8 : memref<120x128xf32, #tpu.memory_space<vmem>>)
    %dma_start3A_476 = arith.constant 0 : i32
    %dma_start3A_477 = arith.constant 0 : i32
    %dma_start3A_478 = tpu.memref_slice %arg8[%dma_start3A_476, %dma_start3A_477] : memref<120x128xf32, #tpu.memory_space<vmem>> -> memref<8x128xf32, #tpu.memory_space<vmem>>
    %dma_start3A_479 = arith.constant 0 : i32
    %dma_start3A_480 = tpu.memref_slice %arg4[%add3A_6, %dma_start3A_479] : memref<100000x128xf32, #tpu.memory_space<hbm>> -> memref<8x128xf32, #tpu.memory_space<hbm>>
    %dma_start3A_481 = arith.constant 0 : i32
    %dma_start3A_482 = tpu.memref_slice %arg4[%add3A_6, %dma_start3A_481] : memref<100000x128xf32, #tpu.memory_space<hbm>> -> memref<8x128xf32, #tpu.memory_space<hbm>>
    %dma_start3A_483 = arith.constant 0 : i32
    %dma_start3A_484 = arith.constant 0 : i32
    %dma_start3A_485 = tpu.memref_slice %arg8[%dma_start3A_483, %dma_start3A_484] : memref<120x128xf32, #tpu.memory_space<vmem>> -> memref<8x128xf32, #tpu.memory_space<vmem>>
    tpu.enqueue_dma source(%dma_start3A_485 : memref<8x128xf32, #tpu.memory_space<vmem>>) target(%dma_start3A_482 : memref<8x128xf32, #tpu.memory_space<hbm>>) target_semaphore(%arg16 : memref<!tpu.dma_semaphore, #tpu.memory_space<semaphore_mem>>)
    %dma_wait3A_486 = arith.constant 0 : i32
    %dma_wait3A_487 = arith.constant 0 : i32
    %dma_wait3A_488 = tpu.memref_slice %arg7[%dma_wait3A_486, %dma_wait3A_487] : memref<120x128xf32, #tpu.memory_space<vmem>> -> memref<8x128xf32, #tpu.memory_space<vmem>>
    %dma_wait3A_489 = arith.constant 0 : i32
    %dma_wait3A_490 = arith.constant 0 : i32
    %dma_wait3A_491 = tpu.memref_slice %arg4[%dma_wait3A_489, %dma_wait3A_490] : memref<100000x128xf32, #tpu.memory_space<hbm>> -> memref<8x128xf32, #tpu.memory_space<hbm>>
    %dma_wait3A_492 = arith.constant 0 : i32
    %dma_wait3A_493 = arith.constant 0 : i32
    %dma_wait3A_494 = tpu.memref_slice %arg4[%dma_wait3A_492, %dma_wait3A_493] : memref<100000x128xf32, #tpu.memory_space<hbm>> -> memref<8x128xf32, #tpu.memory_space<hbm>>
    %dma_wait3A_495 = arith.constant 0 : i32
    %dma_wait3A_496 = arith.constant 0 : i32
    %dma_wait3A_497 = tpu.memref_slice %arg7[%dma_wait3A_495, %dma_wait3A_496] : memref<120x128xf32, #tpu.memory_space<vmem>> -> memref<8x128xf32, #tpu.memory_space<vmem>>
    tpu.wait_dma2 semaphore(%arg15 : memref<!tpu.dma_semaphore, #tpu.memory_space<semaphore_mem>>) src(%dma_wait3A_497 : memref<8x128xf32, #tpu.memory_space<vmem>>) dst(%dma_wait3A_494 : memref<8x128xf32, #tpu.memory_space<hbm>>)
    %dma_start3A_498 = arith.constant 2040 : i32
    %dma_start3A_499 = tpu.memref_slice %arg5[%dma_start3A_498] : memref<3128xi32, #tpu.memory_space<vmem>> -> memref<120xi32, #tpu.memory_space<vmem>>
    %dma_start3A_500 = arith.constant 0 : i32
    %dma_start3A_501 = arith.constant 0 : i32
    %dma_start3A_502 = tpu.memref_slice %arg3[%dma_start3A_500, %dma_start3A_501] : memref<100000x128xf32, #tpu.memory_space<hbm>> -> memref<100000x128xf32, #tpu.memory_space<hbm>>
    tpu.enqueue_indirect_dma source(%dma_start3A_502 : memref<100000x128xf32, #tpu.memory_space<hbm>>) target(%arg7 : memref<120x128xf32, #tpu.memory_space<vmem>>) offsets(%dma_start3A_499 : memref<120xi32, #tpu.memory_space<vmem>>) semaphore(%arg11 : memref<!tpu.dma_semaphore, #tpu.memory_space<semaphore_mem>>)
    %dma_wait3A_503 = arith.constant 0 : i32
    %dma_wait3A_504 = arith.constant 0 : i32
    %dma_wait3A_505 = tpu.memref_slice %arg3[%dma_wait3A_503, %dma_wait3A_504] : memref<100000x128xf32, #tpu.memory_space<hbm>> -> memref<120x128xf32, #tpu.memory_space<hbm>>
    %dma_wait3A_506 = arith.constant 0 : i32
    %dma_wait3A_507 = arith.constant 0 : i32
    %dma_wait3A_508 = tpu.memref_slice %arg3[%dma_wait3A_506, %dma_wait3A_507] : memref<100000x128xf32, #tpu.memory_space<hbm>> -> memref<120x128xf32, #tpu.memory_space<hbm>>
    tpu.wait_dma2 semaphore(%arg13 : memref<!tpu.dma_semaphore, #tpu.memory_space<semaphore_mem>>) src(%dma_wait3A_508 : memref<120x128xf32, #tpu.memory_space<hbm>>) dst(%arg9 : memref<120x128xf32, #tpu.memory_space<vmem>>)
    %dma_start3A_509 = arith.constant 0 : i32
    %dma_start3A_510 = arith.constant 0 : i32
    %dma_start3A_511 = tpu.memref_slice %arg9[%dma_start3A_509, %dma_start3A_510] : memref<120x128xf32, #tpu.memory_space<vmem>> -> memref<8x128xf32, #tpu.memory_space<vmem>>
    %dma_start3A_512 = arith.constant 0 : i32
    %dma_start3A_513 = tpu.memref_slice %arg4[%add3A_6, %dma_start3A_512] : memref<100000x128xf32, #tpu.memory_space<hbm>> -> memref<8x128xf32, #tpu.memory_space<hbm>>
    %dma_start3A_514 = arith.constant 0 : i32
    %dma_start3A_515 = tpu.memref_slice %arg4[%add3A_6, %dma_start3A_514] : memref<100000x128xf32, #tpu.memory_space<hbm>> -> memref<8x128xf32, #tpu.memory_space<hbm>>
    %dma_start3A_516 = arith.constant 0 : i32
    %dma_start3A_517 = arith.constant 0 : i32
    %dma_start3A_518 = tpu.memref_slice %arg9[%dma_start3A_516, %dma_start3A_517] : memref<120x128xf32, #tpu.memory_space<vmem>> -> memref<8x128xf32, #tpu.memory_space<vmem>>
    tpu.enqueue_dma source(%dma_start3A_518 : memref<8x128xf32, #tpu.memory_space<vmem>>) target(%dma_start3A_515 : memref<8x128xf32, #tpu.memory_space<hbm>>) target_semaphore(%arg17 : memref<!tpu.dma_semaphore, #tpu.memory_space<semaphore_mem>>)
    %dma_wait3A_519 = arith.constant 0 : i32
    %dma_wait3A_520 = arith.constant 0 : i32
    %dma_wait3A_521 = tpu.memref_slice %arg8[%dma_wait3A_519, %dma_wait3A_520] : memref<120x128xf32, #tpu.memory_space<vmem>> -> memref<8x128xf32, #tpu.memory_space<vmem>>
    %dma_wait3A_522 = arith.constant 0 : i32
    %dma_wait3A_523 = arith.constant 0 : i32
    %dma_wait3A_524 = tpu.memref_slice %arg4[%dma_wait3A_522, %dma_wait3A_523] : memref<100000x128xf32, #tpu.memory_space<hbm>> -> memref<8x128xf32, #tpu.memory_space<hbm>>
    %dma_wait3A_525 = arith.constant 0 : i32
    %dma_wait3A_526 = arith.constant 0 : i32
    %dma_wait3A_527 = tpu.memref_slice %arg4[%dma_wait3A_525, %dma_wait3A_526] : memref<100000x128xf32, #tpu.memory_space<hbm>> -> memref<8x128xf32, #tpu.memory_space<hbm>>
    %dma_wait3A_528 = arith.constant 0 : i32
    %dma_wait3A_529 = arith.constant 0 : i32
    %dma_wait3A_530 = tpu.memref_slice %arg8[%dma_wait3A_528, %dma_wait3A_529] : memref<120x128xf32, #tpu.memory_space<vmem>> -> memref<8x128xf32, #tpu.memory_space<vmem>>
    tpu.wait_dma2 semaphore(%arg16 : memref<!tpu.dma_semaphore, #tpu.memory_space<semaphore_mem>>) src(%dma_wait3A_530 : memref<8x128xf32, #tpu.memory_space<vmem>>) dst(%dma_wait3A_527 : memref<8x128xf32, #tpu.memory_space<hbm>>)
    %dma_start3A_531 = arith.constant 2160 : i32
    %dma_start3A_532 = tpu.memref_slice %arg5[%dma_start3A_531] : memref<3128xi32, #tpu.memory_space<vmem>> -> memref<120xi32, #tpu.memory_space<vmem>>
    %dma_start3A_533 = arith.constant 0 : i32
    %dma_start3A_534 = arith.constant 0 : i32
    %dma_start3A_535 = tpu.memref_slice %arg3[%dma_start3A_533, %dma_start3A_534] : memref<100000x128xf32, #tpu.memory_space<hbm>> -> memref<100000x128xf32, #tpu.memory_space<hbm>>
    tpu.enqueue_indirect_dma source(%dma_start3A_535 : memref<100000x128xf32, #tpu.memory_space<hbm>>) target(%arg8 : memref<120x128xf32, #tpu.memory_space<vmem>>) offsets(%dma_start3A_532 : memref<120xi32, #tpu.memory_space<vmem>>) semaphore(%arg12 : memref<!tpu.dma_semaphore, #tpu.memory_space<semaphore_mem>>)
    %dma_wait3A_536 = arith.constant 0 : i32
    %dma_wait3A_537 = arith.constant 0 : i32
    %dma_wait3A_538 = tpu.memref_slice %arg3[%dma_wait3A_536, %dma_wait3A_537] : memref<100000x128xf32, #tpu.memory_space<hbm>> -> memref<120x128xf32, #tpu.memory_space<hbm>>
    %dma_wait3A_539 = arith.constant 0 : i32
    %dma_wait3A_540 = arith.constant 0 : i32
    %dma_wait3A_541 = tpu.memref_slice %arg3[%dma_wait3A_539, %dma_wait3A_540] : memref<100000x128xf32, #tpu.memory_space<hbm>> -> memref<120x128xf32, #tpu.memory_space<hbm>>
    tpu.wait_dma2 semaphore(%arg10 : memref<!tpu.dma_semaphore, #tpu.memory_space<semaphore_mem>>) src(%dma_wait3A_541 : memref<120x128xf32, #tpu.memory_space<hbm>>) dst(%arg6 : memref<120x128xf32, #tpu.memory_space<vmem>>)
    %dma_start3A_542 = arith.constant 0 : i32
    %dma_start3A_543 = arith.constant 0 : i32
    %dma_start3A_544 = tpu.memref_slice %arg6[%dma_start3A_542, %dma_start3A_543] : memref<120x128xf32, #tpu.memory_space<vmem>> -> memref<8x128xf32, #tpu.memory_space<vmem>>
    %dma_start3A_545 = arith.constant 0 : i32
    %dma_start3A_546 = tpu.memref_slice %arg4[%add3A_6, %dma_start3A_545] : memref<100000x128xf32, #tpu.memory_space<hbm>> -> memref<8x128xf32, #tpu.memory_space<hbm>>
    %dma_start3A_547 = arith.constant 0 : i32
    %dma_start3A_548 = tpu.memref_slice %arg4[%add3A_6, %dma_start3A_547] : memref<100000x128xf32, #tpu.memory_space<hbm>> -> memref<8x128xf32, #tpu.memory_space<hbm>>
    %dma_start3A_549 = arith.constant 0 : i32
    %dma_start3A_550 = arith.constant 0 : i32
    %dma_start3A_551 = tpu.memref_slice %arg6[%dma_start3A_549, %dma_start3A_550] : memref<120x128xf32, #tpu.memory_space<vmem>> -> memref<8x128xf32, #tpu.memory_space<vmem>>
    tpu.enqueue_dma source(%dma_start3A_551 : memref<8x128xf32, #tpu.memory_space<vmem>>) target(%dma_start3A_548 : memref<8x128xf32, #tpu.memory_space<hbm>>) target_semaphore(%arg14 : memref<!tpu.dma_semaphore, #tpu.memory_space<semaphore_mem>>)
    %dma_wait3A_552 = arith.constant 0 : i32
    %dma_wait3A_553 = arith.constant 0 : i32
    %dma_wait3A_554 = tpu.memref_slice %arg9[%dma_wait3A_552, %dma_wait3A_553] : memref<120x128xf32, #tpu.memory_space<vmem>> -> memref<8x128xf32, #tpu.memory_space<vmem>>
    %dma_wait3A_555 = arith.constant 0 : i32
    %dma_wait3A_556 = arith.constant 0 : i32
    %dma_wait3A_557 = tpu.memref_slice %arg4[%dma_wait3A_555, %dma_wait3A_556] : memref<100000x128xf32, #tpu.memory_space<hbm>> -> memref<8x128xf32, #tpu.memory_space<hbm>>
    %dma_wait3A_558 = arith.constant 0 : i32
    %dma_wait3A_559 = arith.constant 0 : i32
    %dma_wait3A_560 = tpu.memref_slice %arg4[%dma_wait3A_558, %dma_wait3A_559] : memref<100000x128xf32, #tpu.memory_space<hbm>> -> memref<8x128xf32, #tpu.memory_space<hbm>>
    %dma_wait3A_561 = arith.constant 0 : i32
    %dma_wait3A_562 = arith.constant 0 : i32
    %dma_wait3A_563 = tpu.memref_slice %arg9[%dma_wait3A_561, %dma_wait3A_562] : memref<120x128xf32, #tpu.memory_space<vmem>> -> memref<8x128xf32, #tpu.memory_space<vmem>>
    tpu.wait_dma2 semaphore(%arg17 : memref<!tpu.dma_semaphore, #tpu.memory_space<semaphore_mem>>) src(%dma_wait3A_563 : memref<8x128xf32, #tpu.memory_space<vmem>>) dst(%dma_wait3A_560 : memref<8x128xf32, #tpu.memory_space<hbm>>)
    %dma_start3A_564 = arith.constant 2280 : i32
    %dma_start3A_565 = tpu.memref_slice %arg5[%dma_start3A_564] : memref<3128xi32, #tpu.memory_space<vmem>> -> memref<120xi32, #tpu.memory_space<vmem>>
    %dma_start3A_566 = arith.constant 0 : i32
    %dma_start3A_567 = arith.constant 0 : i32
    %dma_start3A_568 = tpu.memref_slice %arg3[%dma_start3A_566, %dma_start3A_567] : memref<100000x128xf32, #tpu.memory_space<hbm>> -> memref<100000x128xf32, #tpu.memory_space<hbm>>
    tpu.enqueue_indirect_dma source(%dma_start3A_568 : memref<100000x128xf32, #tpu.memory_space<hbm>>) target(%arg9 : memref<120x128xf32, #tpu.memory_space<vmem>>) offsets(%dma_start3A_565 : memref<120xi32, #tpu.memory_space<vmem>>) semaphore(%arg13 : memref<!tpu.dma_semaphore, #tpu.memory_space<semaphore_mem>>)
    %dma_wait3A_569 = arith.constant 0 : i32
    %dma_wait3A_570 = arith.constant 0 : i32
    %dma_wait3A_571 = tpu.memref_slice %arg3[%dma_wait3A_569, %dma_wait3A_570] : memref<100000x128xf32, #tpu.memory_space<hbm>> -> memref<120x128xf32, #tpu.memory_space<hbm>>
    %dma_wait3A_572 = arith.constant 0 : i32
    %dma_wait3A_573 = arith.constant 0 : i32
    %dma_wait3A_574 = tpu.memref_slice %arg3[%dma_wait3A_572, %dma_wait3A_573] : memref<100000x128xf32, #tpu.memory_space<hbm>> -> memref<120x128xf32, #tpu.memory_space<hbm>>
    tpu.wait_dma2 semaphore(%arg11 : memref<!tpu.dma_semaphore, #tpu.memory_space<semaphore_mem>>) src(%dma_wait3A_574 : memref<120x128xf32, #tpu.memory_space<hbm>>) dst(%arg7 : memref<120x128xf32, #tpu.memory_space<vmem>>)
    %dma_start3A_575 = arith.constant 0 : i32
    %dma_start3A_576 = arith.constant 0 : i32
    %dma_start3A_577 = tpu.memref_slice %arg7[%dma_start3A_575, %dma_start3A_576] : memref<120x128xf32, #tpu.memory_space<vmem>> -> memref<8x128xf32, #tpu.memory_space<vmem>>
    %dma_start3A_578 = arith.constant 0 : i32
    %dma_start3A_579 = tpu.memref_slice %arg4[%add3A_6, %dma_start3A_578] : memref<100000x128xf32, #tpu.memory_space<hbm>> -> memref<8x128xf32, #tpu.memory_space<hbm>>
    %dma_start3A_580 = arith.constant 0 : i32
    %dma_start3A_581 = tpu.memref_slice %arg4[%add3A_6, %dma_start3A_580] : memref<100000x128xf32, #tpu.memory_space<hbm>> -> memref<8x128xf32, #tpu.memory_space<hbm>>
    %dma_start3A_582 = arith.constant 0 : i32
    %dma_start3A_583 = arith.constant 0 : i32
    %dma_start3A_584 = tpu.memref_slice %arg7[%dma_start3A_582, %dma_start3A_583] : memref<120x128xf32, #tpu.memory_space<vmem>> -> memref<8x128xf32, #tpu.memory_space<vmem>>
    tpu.enqueue_dma source(%dma_start3A_584 : memref<8x128xf32, #tpu.memory_space<vmem>>) target(%dma_start3A_581 : memref<8x128xf32, #tpu.memory_space<hbm>>) target_semaphore(%arg15 : memref<!tpu.dma_semaphore, #tpu.memory_space<semaphore_mem>>)
    %dma_wait3A_585 = arith.constant 0 : i32
    %dma_wait3A_586 = arith.constant 0 : i32
    %dma_wait3A_587 = tpu.memref_slice %arg6[%dma_wait3A_585, %dma_wait3A_586] : memref<120x128xf32, #tpu.memory_space<vmem>> -> memref<8x128xf32, #tpu.memory_space<vmem>>
    %dma_wait3A_588 = arith.constant 0 : i32
    %dma_wait3A_589 = arith.constant 0 : i32
    %dma_wait3A_590 = tpu.memref_slice %arg4[%dma_wait3A_588, %dma_wait3A_589] : memref<100000x128xf32, #tpu.memory_space<hbm>> -> memref<8x128xf32, #tpu.memory_space<hbm>>
    %dma_wait3A_591 = arith.constant 0 : i32
    %dma_wait3A_592 = arith.constant 0 : i32
    %dma_wait3A_593 = tpu.memref_slice %arg4[%dma_wait3A_591, %dma_wait3A_592] : memref<100000x128xf32, #tpu.memory_space<hbm>> -> memref<8x128xf32, #tpu.memory_space<hbm>>
    %dma_wait3A_594 = arith.constant 0 : i32
    %dma_wait3A_595 = arith.constant 0 : i32
    %dma_wait3A_596 = tpu.memref_slice %arg6[%dma_wait3A_594, %dma_wait3A_595] : memref<120x128xf32, #tpu.memory_space<vmem>> -> memref<8x128xf32, #tpu.memory_space<vmem>>
    tpu.wait_dma2 semaphore(%arg14 : memref<!tpu.dma_semaphore, #tpu.memory_space<semaphore_mem>>) src(%dma_wait3A_596 : memref<8x128xf32, #tpu.memory_space<vmem>>) dst(%dma_wait3A_593 : memref<8x128xf32, #tpu.memory_space<hbm>>)
    %dma_start3A_597 = arith.constant 2400 : i32
    %dma_start3A_598 = tpu.memref_slice %arg5[%dma_start3A_597] : memref<3128xi32, #tpu.memory_space<vmem>> -> memref<120xi32, #tpu.memory_space<vmem>>
    %dma_start3A_599 = arith.constant 0 : i32
    %dma_start3A_600 = arith.constant 0 : i32
    %dma_start3A_601 = tpu.memref_slice %arg3[%dma_start3A_599, %dma_start3A_600] : memref<100000x128xf32, #tpu.memory_space<hbm>> -> memref<100000x128xf32, #tpu.memory_space<hbm>>
    tpu.enqueue_indirect_dma source(%dma_start3A_601 : memref<100000x128xf32, #tpu.memory_space<hbm>>) target(%arg6 : memref<120x128xf32, #tpu.memory_space<vmem>>) offsets(%dma_start3A_598 : memref<120xi32, #tpu.memory_space<vmem>>) semaphore(%arg10 : memref<!tpu.dma_semaphore, #tpu.memory_space<semaphore_mem>>)
    %dma_wait3A_602 = arith.constant 0 : i32
    %dma_wait3A_603 = arith.constant 0 : i32
    %dma_wait3A_604 = tpu.memref_slice %arg3[%dma_wait3A_602, %dma_wait3A_603] : memref<100000x128xf32, #tpu.memory_space<hbm>> -> memref<120x128xf32, #tpu.memory_space<hbm>>
    %dma_wait3A_605 = arith.constant 0 : i32
    %dma_wait3A_606 = arith.constant 0 : i32
    %dma_wait3A_607 = tpu.memref_slice %arg3[%dma_wait3A_605, %dma_wait3A_606] : memref<100000x128xf32, #tpu.memory_space<hbm>> -> memref<120x128xf32, #tpu.memory_space<hbm>>
    tpu.wait_dma2 semaphore(%arg12 : memref<!tpu.dma_semaphore, #tpu.memory_space<semaphore_mem>>) src(%dma_wait3A_607 : memref<120x128xf32, #tpu.memory_space<hbm>>) dst(%arg8 : memref<120x128xf32, #tpu.memory_space<vmem>>)
    %dma_start3A_608 = arith.constant 0 : i32
    %dma_start3A_609 = arith.constant 0 : i32
    %dma_start3A_610 = tpu.memref_slice %arg8[%dma_start3A_608, %dma_start3A_609] : memref<120x128xf32, #tpu.memory_space<vmem>> -> memref<8x128xf32, #tpu.memory_space<vmem>>
    %dma_start3A_611 = arith.constant 0 : i32
    %dma_start3A_612 = tpu.memref_slice %arg4[%add3A_6, %dma_start3A_611] : memref<100000x128xf32, #tpu.memory_space<hbm>> -> memref<8x128xf32, #tpu.memory_space<hbm>>
    %dma_start3A_613 = arith.constant 0 : i32
    %dma_start3A_614 = tpu.memref_slice %arg4[%add3A_6, %dma_start3A_613] : memref<100000x128xf32, #tpu.memory_space<hbm>> -> memref<8x128xf32, #tpu.memory_space<hbm>>
    %dma_start3A_615 = arith.constant 0 : i32
    %dma_start3A_616 = arith.constant 0 : i32
    %dma_start3A_617 = tpu.memref_slice %arg8[%dma_start3A_615, %dma_start3A_616] : memref<120x128xf32, #tpu.memory_space<vmem>> -> memref<8x128xf32, #tpu.memory_space<vmem>>
    tpu.enqueue_dma source(%dma_start3A_617 : memref<8x128xf32, #tpu.memory_space<vmem>>) target(%dma_start3A_614 : memref<8x128xf32, #tpu.memory_space<hbm>>) target_semaphore(%arg16 : memref<!tpu.dma_semaphore, #tpu.memory_space<semaphore_mem>>)
    %dma_wait3A_618 = arith.constant 0 : i32
    %dma_wait3A_619 = arith.constant 0 : i32
    %dma_wait3A_620 = tpu.memref_slice %arg7[%dma_wait3A_618, %dma_wait3A_619] : memref<120x128xf32, #tpu.memory_space<vmem>> -> memref<8x128xf32, #tpu.memory_space<vmem>>
    %dma_wait3A_621 = arith.constant 0 : i32
    %dma_wait3A_622 = arith.constant 0 : i32
    %dma_wait3A_623 = tpu.memref_slice %arg4[%dma_wait3A_621, %dma_wait3A_622] : memref<100000x128xf32, #tpu.memory_space<hbm>> -> memref<8x128xf32, #tpu.memory_space<hbm>>
    %dma_wait3A_624 = arith.constant 0 : i32
    %dma_wait3A_625 = arith.constant 0 : i32
    %dma_wait3A_626 = tpu.memref_slice %arg4[%dma_wait3A_624, %dma_wait3A_625] : memref<100000x128xf32, #tpu.memory_space<hbm>> -> memref<8x128xf32, #tpu.memory_space<hbm>>
    %dma_wait3A_627 = arith.constant 0 : i32
    %dma_wait3A_628 = arith.constant 0 : i32
    %dma_wait3A_629 = tpu.memref_slice %arg7[%dma_wait3A_627, %dma_wait3A_628] : memref<120x128xf32, #tpu.memory_space<vmem>> -> memref<8x128xf32, #tpu.memory_space<vmem>>
    tpu.wait_dma2 semaphore(%arg15 : memref<!tpu.dma_semaphore, #tpu.memory_space<semaphore_mem>>) src(%dma_wait3A_629 : memref<8x128xf32, #tpu.memory_space<vmem>>) dst(%dma_wait3A_626 : memref<8x128xf32, #tpu.memory_space<hbm>>)
    %dma_start3A_630 = arith.constant 2520 : i32
    %dma_start3A_631 = tpu.memref_slice %arg5[%dma_start3A_630] : memref<3128xi32, #tpu.memory_space<vmem>> -> memref<120xi32, #tpu.memory_space<vmem>>
    %dma_start3A_632 = arith.constant 0 : i32
    %dma_start3A_633 = arith.constant 0 : i32
    %dma_start3A_634 = tpu.memref_slice %arg3[%dma_start3A_632, %dma_start3A_633] : memref<100000x128xf32, #tpu.memory_space<hbm>> -> memref<100000x128xf32, #tpu.memory_space<hbm>>
    tpu.enqueue_indirect_dma source(%dma_start3A_634 : memref<100000x128xf32, #tpu.memory_space<hbm>>) target(%arg7 : memref<120x128xf32, #tpu.memory_space<vmem>>) offsets(%dma_start3A_631 : memref<120xi32, #tpu.memory_space<vmem>>) semaphore(%arg11 : memref<!tpu.dma_semaphore, #tpu.memory_space<semaphore_mem>>)
    %dma_wait3A_635 = arith.constant 0 : i32
    %dma_wait3A_636 = arith.constant 0 : i32
    %dma_wait3A_637 = tpu.memref_slice %arg3[%dma_wait3A_635, %dma_wait3A_636] : memref<100000x128xf32, #tpu.memory_space<hbm>> -> memref<120x128xf32, #tpu.memory_space<hbm>>
    %dma_wait3A_638 = arith.constant 0 : i32
    %dma_wait3A_639 = arith.constant 0 : i32
    %dma_wait3A_640 = tpu.memref_slice %arg3[%dma_wait3A_638, %dma_wait3A_639] : memref<100000x128xf32, #tpu.memory_space<hbm>> -> memref<120x128xf32, #tpu.memory_space<hbm>>
    tpu.wait_dma2 semaphore(%arg13 : memref<!tpu.dma_semaphore, #tpu.memory_space<semaphore_mem>>) src(%dma_wait3A_640 : memref<120x128xf32, #tpu.memory_space<hbm>>) dst(%arg9 : memref<120x128xf32, #tpu.memory_space<vmem>>)
    %dma_start3A_641 = arith.constant 0 : i32
    %dma_start3A_642 = arith.constant 0 : i32
    %dma_start3A_643 = tpu.memref_slice %arg9[%dma_start3A_641, %dma_start3A_642] : memref<120x128xf32, #tpu.memory_space<vmem>> -> memref<8x128xf32, #tpu.memory_space<vmem>>
    %dma_start3A_644 = arith.constant 0 : i32
    %dma_start3A_645 = tpu.memref_slice %arg4[%add3A_6, %dma_start3A_644] : memref<100000x128xf32, #tpu.memory_space<hbm>> -> memref<8x128xf32, #tpu.memory_space<hbm>>
    %dma_start3A_646 = arith.constant 0 : i32
    %dma_start3A_647 = tpu.memref_slice %arg4[%add3A_6, %dma_start3A_646] : memref<100000x128xf32, #tpu.memory_space<hbm>> -> memref<8x128xf32, #tpu.memory_space<hbm>>
    %dma_start3A_648 = arith.constant 0 : i32
    %dma_start3A_649 = arith.constant 0 : i32
    %dma_start3A_650 = tpu.memref_slice %arg9[%dma_start3A_648, %dma_start3A_649] : memref<120x128xf32, #tpu.memory_space<vmem>> -> memref<8x128xf32, #tpu.memory_space<vmem>>
    tpu.enqueue_dma source(%dma_start3A_650 : memref<8x128xf32, #tpu.memory_space<vmem>>) target(%dma_start3A_647 : memref<8x128xf32, #tpu.memory_space<hbm>>) target_semaphore(%arg17 : memref<!tpu.dma_semaphore, #tpu.memory_space<semaphore_mem>>)
    %dma_wait3A_651 = arith.constant 0 : i32
    %dma_wait3A_652 = arith.constant 0 : i32
    %dma_wait3A_653 = tpu.memref_slice %arg8[%dma_wait3A_651, %dma_wait3A_652] : memref<120x128xf32, #tpu.memory_space<vmem>> -> memref<8x128xf32, #tpu.memory_space<vmem>>
    %dma_wait3A_654 = arith.constant 0 : i32
    %dma_wait3A_655 = arith.constant 0 : i32
    %dma_wait3A_656 = tpu.memref_slice %arg4[%dma_wait3A_654, %dma_wait3A_655] : memref<100000x128xf32, #tpu.memory_space<hbm>> -> memref<8x128xf32, #tpu.memory_space<hbm>>
    %dma_wait3A_657 = arith.constant 0 : i32
    %dma_wait3A_658 = arith.constant 0 : i32
    %dma_wait3A_659 = tpu.memref_slice %arg4[%dma_wait3A_657, %dma_wait3A_658] : memref<100000x128xf32, #tpu.memory_space<hbm>> -> memref<8x128xf32, #tpu.memory_space<hbm>>
    %dma_wait3A_660 = arith.constant 0 : i32
    %dma_wait3A_661 = arith.constant 0 : i32
    %dma_wait3A_662 = tpu.memref_slice %arg8[%dma_wait3A_660, %dma_wait3A_661] : memref<120x128xf32, #tpu.memory_space<vmem>> -> memref<8x128xf32, #tpu.memory_space<vmem>>
    tpu.wait_dma2 semaphore(%arg16 : memref<!tpu.dma_semaphore, #tpu.memory_space<semaphore_mem>>) src(%dma_wait3A_662 : memref<8x128xf32, #tpu.memory_space<vmem>>) dst(%dma_wait3A_659 : memref<8x128xf32, #tpu.memory_space<hbm>>)
    %dma_start3A_663 = arith.constant 2640 : i32
    %dma_start3A_664 = tpu.memref_slice %arg5[%dma_start3A_663] : memref<3128xi32, #tpu.memory_space<vmem>> -> memref<120xi32, #tpu.memory_space<vmem>>
    %dma_start3A_665 = arith.constant 0 : i32
    %dma_start3A_666 = arith.constant 0 : i32
    %dma_start3A_667 = tpu.memref_slice %arg3[%dma_start3A_665, %dma_start3A_666] : memref<100000x128xf32, #tpu.memory_space<hbm>> -> memref<100000x128xf32, #tpu.memory_space<hbm>>
    tpu.enqueue_indirect_dma source(%dma_start3A_667 : memref<100000x128xf32, #tpu.memory_space<hbm>>) target(%arg8 : memref<120x128xf32, #tpu.memory_space<vmem>>) offsets(%dma_start3A_664 : memref<120xi32, #tpu.memory_space<vmem>>) semaphore(%arg12 : memref<!tpu.dma_semaphore, #tpu.memory_space<semaphore_mem>>)
    %dma_wait3A_668 = arith.constant 0 : i32
    %dma_wait3A_669 = arith.constant 0 : i32
    %dma_wait3A_670 = tpu.memref_slice %arg3[%dma_wait3A_668, %dma_wait3A_669] : memref<100000x128xf32, #tpu.memory_space<hbm>> -> memref<120x128xf32, #tpu.memory_space<hbm>>
    %dma_wait3A_671 = arith.constant 0 : i32
    %dma_wait3A_672 = arith.constant 0 : i32
    %dma_wait3A_673 = tpu.memref_slice %arg3[%dma_wait3A_671, %dma_wait3A_672] : memref<100000x128xf32, #tpu.memory_space<hbm>> -> memref<120x128xf32, #tpu.memory_space<hbm>>
    tpu.wait_dma2 semaphore(%arg10 : memref<!tpu.dma_semaphore, #tpu.memory_space<semaphore_mem>>) src(%dma_wait3A_673 : memref<120x128xf32, #tpu.memory_space<hbm>>) dst(%arg6 : memref<120x128xf32, #tpu.memory_space<vmem>>)
    %dma_start3A_674 = arith.constant 0 : i32
    %dma_start3A_675 = arith.constant 0 : i32
    %dma_start3A_676 = tpu.memref_slice %arg6[%dma_start3A_674, %dma_start3A_675] : memref<120x128xf32, #tpu.memory_space<vmem>> -> memref<8x128xf32, #tpu.memory_space<vmem>>
    %dma_start3A_677 = arith.constant 0 : i32
    %dma_start3A_678 = tpu.memref_slice %arg4[%add3A_6, %dma_start3A_677] : memref<100000x128xf32, #tpu.memory_space<hbm>> -> memref<8x128xf32, #tpu.memory_space<hbm>>
    %dma_start3A_679 = arith.constant 0 : i32
    %dma_start3A_680 = tpu.memref_slice %arg4[%add3A_6, %dma_start3A_679] : memref<100000x128xf32, #tpu.memory_space<hbm>> -> memref<8x128xf32, #tpu.memory_space<hbm>>
    %dma_start3A_681 = arith.constant 0 : i32
    %dma_start3A_682 = arith.constant 0 : i32
    %dma_start3A_683 = tpu.memref_slice %arg6[%dma_start3A_681, %dma_start3A_682] : memref<120x128xf32, #tpu.memory_space<vmem>> -> memref<8x128xf32, #tpu.memory_space<vmem>>
    tpu.enqueue_dma source(%dma_start3A_683 : memref<8x128xf32, #tpu.memory_space<vmem>>) target(%dma_start3A_680 : memref<8x128xf32, #tpu.memory_space<hbm>>) target_semaphore(%arg14 : memref<!tpu.dma_semaphore, #tpu.memory_space<semaphore_mem>>)
    %dma_wait3A_684 = arith.constant 0 : i32
    %dma_wait3A_685 = arith.constant 0 : i32
    %dma_wait3A_686 = tpu.memref_slice %arg9[%dma_wait3A_684, %dma_wait3A_685] : memref<120x128xf32, #tpu.memory_space<vmem>> -> memref<8x128xf32, #tpu.memory_space<vmem>>
    %dma_wait3A_687 = arith.constant 0 : i32
    %dma_wait3A_688 = arith.constant 0 : i32
    %dma_wait3A_689 = tpu.memref_slice %arg4[%dma_wait3A_687, %dma_wait3A_688] : memref<100000x128xf32, #tpu.memory_space<hbm>> -> memref<8x128xf32, #tpu.memory_space<hbm>>
    %dma_wait3A_690 = arith.constant 0 : i32
    %dma_wait3A_691 = arith.constant 0 : i32
    %dma_wait3A_692 = tpu.memref_slice %arg4[%dma_wait3A_690, %dma_wait3A_691] : memref<100000x128xf32, #tpu.memory_space<hbm>> -> memref<8x128xf32, #tpu.memory_space<hbm>>
    %dma_wait3A_693 = arith.constant 0 : i32
    %dma_wait3A_694 = arith.constant 0 : i32
    %dma_wait3A_695 = tpu.memref_slice %arg9[%dma_wait3A_693, %dma_wait3A_694] : memref<120x128xf32, #tpu.memory_space<vmem>> -> memref<8x128xf32, #tpu.memory_space<vmem>>
    tpu.wait_dma2 semaphore(%arg17 : memref<!tpu.dma_semaphore, #tpu.memory_space<semaphore_mem>>) src(%dma_wait3A_695 : memref<8x128xf32, #tpu.memory_space<vmem>>) dst(%dma_wait3A_692 : memref<8x128xf32, #tpu.memory_space<hbm>>)
    %dma_start3A_696 = arith.constant 2760 : i32
    %dma_start3A_697 = tpu.memref_slice %arg5[%dma_start3A_696] : memref<3128xi32, #tpu.memory_space<vmem>> -> memref<120xi32, #tpu.memory_space<vmem>>
    %dma_start3A_698 = arith.constant 0 : i32
    %dma_start3A_699 = arith.constant 0 : i32
    %dma_start3A_700 = tpu.memref_slice %arg3[%dma_start3A_698, %dma_start3A_699] : memref<100000x128xf32, #tpu.memory_space<hbm>> -> memref<100000x128xf32, #tpu.memory_space<hbm>>
    tpu.enqueue_indirect_dma source(%dma_start3A_700 : memref<100000x128xf32, #tpu.memory_space<hbm>>) target(%arg9 : memref<120x128xf32, #tpu.memory_space<vmem>>) offsets(%dma_start3A_697 : memref<120xi32, #tpu.memory_space<vmem>>) semaphore(%arg13 : memref<!tpu.dma_semaphore, #tpu.memory_space<semaphore_mem>>)
    %dma_wait3A_701 = arith.constant 0 : i32
    %dma_wait3A_702 = arith.constant 0 : i32
    %dma_wait3A_703 = tpu.memref_slice %arg3[%dma_wait3A_701, %dma_wait3A_702] : memref<100000x128xf32, #tpu.memory_space<hbm>> -> memref<120x128xf32, #tpu.memory_space<hbm>>
    %dma_wait3A_704 = arith.constant 0 : i32
    %dma_wait3A_705 = arith.constant 0 : i32
    %dma_wait3A_706 = tpu.memref_slice %arg3[%dma_wait3A_704, %dma_wait3A_705] : memref<100000x128xf32, #tpu.memory_space<hbm>> -> memref<120x128xf32, #tpu.memory_space<hbm>>
    tpu.wait_dma2 semaphore(%arg11 : memref<!tpu.dma_semaphore, #tpu.memory_space<semaphore_mem>>) src(%dma_wait3A_706 : memref<120x128xf32, #tpu.memory_space<hbm>>) dst(%arg7 : memref<120x128xf32, #tpu.memory_space<vmem>>)
    %dma_start3A_707 = arith.constant 0 : i32
    %dma_start3A_708 = arith.constant 0 : i32
    %dma_start3A_709 = tpu.memref_slice %arg7[%dma_start3A_707, %dma_start3A_708] : memref<120x128xf32, #tpu.memory_space<vmem>> -> memref<8x128xf32, #tpu.memory_space<vmem>>
    %dma_start3A_710 = arith.constant 0 : i32
    %dma_start3A_711 = tpu.memref_slice %arg4[%add3A_6, %dma_start3A_710] : memref<100000x128xf32, #tpu.memory_space<hbm>> -> memref<8x128xf32, #tpu.memory_space<hbm>>
    %dma_start3A_712 = arith.constant 0 : i32
    %dma_start3A_713 = tpu.memref_slice %arg4[%add3A_6, %dma_start3A_712] : memref<100000x128xf32, #tpu.memory_space<hbm>> -> memref<8x128xf32, #tpu.memory_space<hbm>>
    %dma_start3A_714 = arith.constant 0 : i32
    %dma_start3A_715 = arith.constant 0 : i32
    %dma_start3A_716 = tpu.memref_slice %arg7[%dma_start3A_714, %dma_start3A_715] : memref<120x128xf32, #tpu.memory_space<vmem>> -> memref<8x128xf32, #tpu.memory_space<vmem>>
    tpu.enqueue_dma source(%dma_start3A_716 : memref<8x128xf32, #tpu.memory_space<vmem>>) target(%dma_start3A_713 : memref<8x128xf32, #tpu.memory_space<hbm>>) target_semaphore(%arg15 : memref<!tpu.dma_semaphore, #tpu.memory_space<semaphore_mem>>)
    %dma_wait3A_717 = arith.constant 0 : i32
    %dma_wait3A_718 = arith.constant 0 : i32
    %dma_wait3A_719 = tpu.memref_slice %arg6[%dma_wait3A_717, %dma_wait3A_718] : memref<120x128xf32, #tpu.memory_space<vmem>> -> memref<8x128xf32, #tpu.memory_space<vmem>>
    %dma_wait3A_720 = arith.constant 0 : i32
    %dma_wait3A_721 = arith.constant 0 : i32
    %dma_wait3A_722 = tpu.memref_slice %arg4[%dma_wait3A_720, %dma_wait3A_721] : memref<100000x128xf32, #tpu.memory_space<hbm>> -> memref<8x128xf32, #tpu.memory_space<hbm>>
    %dma_wait3A_723 = arith.constant 0 : i32
    %dma_wait3A_724 = arith.constant 0 : i32
    %dma_wait3A_725 = tpu.memref_slice %arg4[%dma_wait3A_723, %dma_wait3A_724] : memref<100000x128xf32, #tpu.memory_space<hbm>> -> memref<8x128xf32, #tpu.memory_space<hbm>>
    %dma_wait3A_726 = arith.constant 0 : i32
    %dma_wait3A_727 = arith.constant 0 : i32
    %dma_wait3A_728 = tpu.memref_slice %arg6[%dma_wait3A_726, %dma_wait3A_727] : memref<120x128xf32, #tpu.memory_space<vmem>> -> memref<8x128xf32, #tpu.memory_space<vmem>>
    tpu.wait_dma2 semaphore(%arg14 : memref<!tpu.dma_semaphore, #tpu.memory_space<semaphore_mem>>) src(%dma_wait3A_728 : memref<8x128xf32, #tpu.memory_space<vmem>>) dst(%dma_wait3A_725 : memref<8x128xf32, #tpu.memory_space<hbm>>)
    %dma_start3A_729 = arith.constant 2880 : i32
    %dma_start3A_730 = tpu.memref_slice %arg5[%dma_start3A_729] : memref<3128xi32, #tpu.memory_space<vmem>> -> memref<120xi32, #tpu.memory_space<vmem>>
    %dma_start3A_731 = arith.constant 0 : i32
    %dma_start3A_732 = arith.constant 0 : i32
    %dma_start3A_733 = tpu.memref_slice %arg3[%dma_start3A_731, %dma_start3A_732] : memref<100000x128xf32, #tpu.memory_space<hbm>> -> memref<100000x128xf32, #tpu.memory_space<hbm>>
    tpu.enqueue_indirect_dma source(%dma_start3A_733 : memref<100000x128xf32, #tpu.memory_space<hbm>>) target(%arg6 : memref<120x128xf32, #tpu.memory_space<vmem>>) offsets(%dma_start3A_730 : memref<120xi32, #tpu.memory_space<vmem>>) semaphore(%arg10 : memref<!tpu.dma_semaphore, #tpu.memory_space<semaphore_mem>>)
    %dma_wait3A_734 = arith.constant 0 : i32
    %dma_wait3A_735 = arith.constant 0 : i32
    %dma_wait3A_736 = tpu.memref_slice %arg3[%dma_wait3A_734, %dma_wait3A_735] : memref<100000x128xf32, #tpu.memory_space<hbm>> -> memref<120x128xf32, #tpu.memory_space<hbm>>
    %dma_wait3A_737 = arith.constant 0 : i32
    %dma_wait3A_738 = arith.constant 0 : i32
    %dma_wait3A_739 = tpu.memref_slice %arg3[%dma_wait3A_737, %dma_wait3A_738] : memref<100000x128xf32, #tpu.memory_space<hbm>> -> memref<120x128xf32, #tpu.memory_space<hbm>>
    tpu.wait_dma2 semaphore(%arg12 : memref<!tpu.dma_semaphore, #tpu.memory_space<semaphore_mem>>) src(%dma_wait3A_739 : memref<120x128xf32, #tpu.memory_space<hbm>>) dst(%arg8 : memref<120x128xf32, #tpu.memory_space<vmem>>)
    %dma_start3A_740 = arith.constant 0 : i32
    %dma_start3A_741 = arith.constant 0 : i32
    %dma_start3A_742 = tpu.memref_slice %arg8[%dma_start3A_740, %dma_start3A_741] : memref<120x128xf32, #tpu.memory_space<vmem>> -> memref<8x128xf32, #tpu.memory_space<vmem>>
    %dma_start3A_743 = arith.constant 0 : i32
    %dma_start3A_744 = tpu.memref_slice %arg4[%add3A_6, %dma_start3A_743] : memref<100000x128xf32, #tpu.memory_space<hbm>> -> memref<8x128xf32, #tpu.memory_space<hbm>>
    %dma_start3A_745 = arith.constant 0 : i32
    %dma_start3A_746 = tpu.memref_slice %arg4[%add3A_6, %dma_start3A_745] : memref<100000x128xf32, #tpu.memory_space<hbm>> -> memref<8x128xf32, #tpu.memory_space<hbm>>
    %dma_start3A_747 = arith.constant 0 : i32
    %dma_start3A_748 = arith.constant 0 : i32
    %dma_start3A_749 = tpu.memref_slice %arg8[%dma_start3A_747, %dma_start3A_748] : memref<120x128xf32, #tpu.memory_space<vmem>> -> memref<8x128xf32, #tpu.memory_space<vmem>>
    tpu.enqueue_dma source(%dma_start3A_749 : memref<8x128xf32, #tpu.memory_space<vmem>>) target(%dma_start3A_746 : memref<8x128xf32, #tpu.memory_space<hbm>>) target_semaphore(%arg16 : memref<!tpu.dma_semaphore, #tpu.memory_space<semaphore_mem>>)
    %dma_wait3A_750 = arith.constant 0 : i32
    %dma_wait3A_751 = arith.constant 0 : i32
    %dma_wait3A_752 = tpu.memref_slice %arg7[%dma_wait3A_750, %dma_wait3A_751] : memref<120x128xf32, #tpu.memory_space<vmem>> -> memref<8x128xf32, #tpu.memory_space<vmem>>
    %dma_wait3A_753 = arith.constant 0 : i32
    %dma_wait3A_754 = arith.constant 0 : i32
    %dma_wait3A_755 = tpu.memref_slice %arg4[%dma_wait3A_753, %dma_wait3A_754] : memref<100000x128xf32, #tpu.memory_space<hbm>> -> memref<8x128xf32, #tpu.memory_space<hbm>>
    %dma_wait3A_756 = arith.constant 0 : i32
    %dma_wait3A_757 = arith.constant 0 : i32
    %dma_wait3A_758 = tpu.memref_slice %arg4[%dma_wait3A_756, %dma_wait3A_757] : memref<100000x128xf32, #tpu.memory_space<hbm>> -> memref<8x128xf32, #tpu.memory_space<hbm>>
    %dma_wait3A_759 = arith.constant 0 : i32
    %dma_wait3A_760 = arith.constant 0 : i32
    %dma_wait3A_761 = tpu.memref_slice %arg7[%dma_wait3A_759, %dma_wait3A_760] : memref<120x128xf32, #tpu.memory_space<vmem>> -> memref<8x128xf32, #tpu.memory_space<vmem>>
    tpu.wait_dma2 semaphore(%arg15 : memref<!tpu.dma_semaphore, #tpu.memory_space<semaphore_mem>>) src(%dma_wait3A_761 : memref<8x128xf32, #tpu.memory_space<vmem>>) dst(%dma_wait3A_758 : memref<8x128xf32, #tpu.memory_space<hbm>>)
    %dma_start3A_762 = arith.constant 3000 : i32
    %dma_start3A_763 = tpu.memref_slice %arg5[%dma_start3A_762] : memref<3128xi32, #tpu.memory_space<vmem>> -> memref<120xi32, #tpu.memory_space<vmem>>
    %dma_start3A_764 = arith.constant 0 : i32
    %dma_start3A_765 = arith.constant 0 : i32
    %dma_start3A_766 = tpu.memref_slice %arg3[%dma_start3A_764, %dma_start3A_765] : memref<100000x128xf32, #tpu.memory_space<hbm>> -> memref<100000x128xf32, #tpu.memory_space<hbm>>
    tpu.enqueue_indirect_dma source(%dma_start3A_766 : memref<100000x128xf32, #tpu.memory_space<hbm>>) target(%arg7 : memref<120x128xf32, #tpu.memory_space<vmem>>) offsets(%dma_start3A_763 : memref<120xi32, #tpu.memory_space<vmem>>) semaphore(%arg11 : memref<!tpu.dma_semaphore, #tpu.memory_space<semaphore_mem>>)
    %dma_wait3A_767 = arith.constant 0 : i32
    %dma_wait3A_768 = arith.constant 0 : i32
    %dma_wait3A_769 = tpu.memref_slice %arg3[%dma_wait3A_767, %dma_wait3A_768] : memref<100000x128xf32, #tpu.memory_space<hbm>> -> memref<120x128xf32, #tpu.memory_space<hbm>>
    %dma_wait3A_770 = arith.constant 0 : i32
    %dma_wait3A_771 = arith.constant 0 : i32
    %dma_wait3A_772 = tpu.memref_slice %arg3[%dma_wait3A_770, %dma_wait3A_771] : memref<100000x128xf32, #tpu.memory_space<hbm>> -> memref<120x128xf32, #tpu.memory_space<hbm>>
    tpu.wait_dma2 semaphore(%arg13 : memref<!tpu.dma_semaphore, #tpu.memory_space<semaphore_mem>>) src(%dma_wait3A_772 : memref<120x128xf32, #tpu.memory_space<hbm>>) dst(%arg9 : memref<120x128xf32, #tpu.memory_space<vmem>>)
    %dma_start3A_773 = arith.constant 0 : i32
    %dma_start3A_774 = arith.constant 0 : i32
    %dma_start3A_775 = tpu.memref_slice %arg9[%dma_start3A_773, %dma_start3A_774] : memref<120x128xf32, #tpu.memory_space<vmem>> -> memref<8x128xf32, #tpu.memory_space<vmem>>
    %dma_start3A_776 = arith.constant 0 : i32
    %dma_start3A_777 = tpu.memref_slice %arg4[%add3A_6, %dma_start3A_776] : memref<100000x128xf32, #tpu.memory_space<hbm>> -> memref<8x128xf32, #tpu.memory_space<hbm>>
    %dma_start3A_778 = arith.constant 0 : i32
    %dma_start3A_779 = tpu.memref_slice %arg4[%add3A_6, %dma_start3A_778] : memref<100000x128xf32, #tpu.memory_space<hbm>> -> memref<8x128xf32, #tpu.memory_space<hbm>>
    %dma_start3A_780 = arith.constant 0 : i32
    %dma_start3A_781 = arith.constant 0 : i32
    %dma_start3A_782 = tpu.memref_slice %arg9[%dma_start3A_780, %dma_start3A_781] : memref<120x128xf32, #tpu.memory_space<vmem>> -> memref<8x128xf32, #tpu.memory_space<vmem>>
    tpu.enqueue_dma source(%dma_start3A_782 : memref<8x128xf32, #tpu.memory_space<vmem>>) target(%dma_start3A_779 : memref<8x128xf32, #tpu.memory_space<hbm>>) target_semaphore(%arg17 : memref<!tpu.dma_semaphore, #tpu.memory_space<semaphore_mem>>)
    %dma_wait3A_783 = arith.constant 0 : i32
    %dma_wait3A_784 = arith.constant 0 : i32
    %dma_wait3A_785 = tpu.memref_slice %arg3[%dma_wait3A_783, %dma_wait3A_784] : memref<100000x128xf32, #tpu.memory_space<hbm>> -> memref<120x128xf32, #tpu.memory_space<hbm>>
    %dma_wait3A_786 = arith.constant 0 : i32
    %dma_wait3A_787 = arith.constant 0 : i32
    %dma_wait3A_788 = tpu.memref_slice %arg3[%dma_wait3A_786, %dma_wait3A_787] : memref<100000x128xf32, #tpu.memory_space<hbm>> -> memref<120x128xf32, #tpu.memory_space<hbm>>
    tpu.wait_dma2 semaphore(%arg10 : memref<!tpu.dma_semaphore, #tpu.memory_space<semaphore_mem>>) src(%dma_wait3A_788 : memref<120x128xf32, #tpu.memory_space<hbm>>) dst(%arg6 : memref<120x128xf32, #tpu.memory_space<vmem>>)
    %dma_start3A_789 = arith.constant 0 : i32
    %dma_start3A_790 = arith.constant 0 : i32
    %dma_start3A_791 = tpu.memref_slice %arg6[%dma_start3A_789, %dma_start3A_790] : memref<120x128xf32, #tpu.memory_space<vmem>> -> memref<8x128xf32, #tpu.memory_space<vmem>>
    %dma_start3A_792 = arith.constant 0 : i32
    %dma_start3A_793 = tpu.memref_slice %arg4[%add3A_6, %dma_start3A_792] : memref<100000x128xf32, #tpu.memory_space<hbm>> -> memref<8x128xf32, #tpu.memory_space<hbm>>
    %dma_start3A_794 = arith.constant 0 : i32
    %dma_start3A_795 = tpu.memref_slice %arg4[%add3A_6, %dma_start3A_794] : memref<100000x128xf32, #tpu.memory_space<hbm>> -> memref<8x128xf32, #tpu.memory_space<hbm>>
    %dma_start3A_796 = arith.constant 0 : i32
    %dma_start3A_797 = arith.constant 0 : i32
    %dma_start3A_798 = tpu.memref_slice %arg6[%dma_start3A_796, %dma_start3A_797] : memref<120x128xf32, #tpu.memory_space<vmem>> -> memref<8x128xf32, #tpu.memory_space<vmem>>
    tpu.enqueue_dma source(%dma_start3A_798 : memref<8x128xf32, #tpu.memory_space<vmem>>) target(%dma_start3A_795 : memref<8x128xf32, #tpu.memory_space<hbm>>) target_semaphore(%arg14 : memref<!tpu.dma_semaphore, #tpu.memory_space<semaphore_mem>>)
    %dma_wait3A_799 = arith.constant 0 : i32
    %dma_wait3A_800 = arith.constant 0 : i32
    %dma_wait3A_801 = tpu.memref_slice %arg3[%dma_wait3A_799, %dma_wait3A_800] : memref<100000x128xf32, #tpu.memory_space<hbm>> -> memref<120x128xf32, #tpu.memory_space<hbm>>
    %dma_wait3A_802 = arith.constant 0 : i32
    %dma_wait3A_803 = arith.constant 0 : i32
    %dma_wait3A_804 = tpu.memref_slice %arg3[%dma_wait3A_802, %dma_wait3A_803] : memref<100000x128xf32, #tpu.memory_space<hbm>> -> memref<120x128xf32, #tpu.memory_space<hbm>>
    tpu.wait_dma2 semaphore(%arg11 : memref<!tpu.dma_semaphore, #tpu.memory_space<semaphore_mem>>) src(%dma_wait3A_804 : memref<120x128xf32, #tpu.memory_space<hbm>>) dst(%arg7 : memref<120x128xf32, #tpu.memory_space<vmem>>)
    %dma_start3A_805 = arith.constant 0 : i32
    %dma_start3A_806 = arith.constant 0 : i32
    %dma_start3A_807 = tpu.memref_slice %arg7[%dma_start3A_805, %dma_start3A_806] : memref<120x128xf32, #tpu.memory_space<vmem>> -> memref<8x128xf32, #tpu.memory_space<vmem>>
    %dma_start3A_808 = arith.constant 0 : i32
    %dma_start3A_809 = tpu.memref_slice %arg4[%add3A_6, %dma_start3A_808] : memref<100000x128xf32, #tpu.memory_space<hbm>> -> memref<8x128xf32, #tpu.memory_space<hbm>>
    %dma_start3A_810 = arith.constant 0 : i32
    %dma_start3A_811 = tpu.memref_slice %arg4[%add3A_6, %dma_start3A_810] : memref<100000x128xf32, #tpu.memory_space<hbm>> -> memref<8x128xf32, #tpu.memory_space<hbm>>
    %dma_start3A_812 = arith.constant 0 : i32
    %dma_start3A_813 = arith.constant 0 : i32
    %dma_start3A_814 = tpu.memref_slice %arg7[%dma_start3A_812, %dma_start3A_813] : memref<120x128xf32, #tpu.memory_space<vmem>> -> memref<8x128xf32, #tpu.memory_space<vmem>>
    tpu.enqueue_dma source(%dma_start3A_814 : memref<8x128xf32, #tpu.memory_space<vmem>>) target(%dma_start3A_811 : memref<8x128xf32, #tpu.memory_space<hbm>>) target_semaphore(%arg15 : memref<!tpu.dma_semaphore, #tpu.memory_space<semaphore_mem>>)
    %dma_wait3A_815 = arith.constant 0 : i32
    %dma_wait3A_816 = arith.constant 0 : i32
    %dma_wait3A_817 = tpu.memref_slice %arg6[%dma_wait3A_815, %dma_wait3A_816] : memref<120x128xf32, #tpu.memory_space<vmem>> -> memref<8x128xf32, #tpu.memory_space<vmem>>
    %dma_wait3A_818 = arith.constant 0 : i32
    %dma_wait3A_819 = arith.constant 0 : i32
    %dma_wait3A_820 = tpu.memref_slice %arg4[%dma_wait3A_818, %dma_wait3A_819] : memref<100000x128xf32, #tpu.memory_space<hbm>> -> memref<8x128xf32, #tpu.memory_space<hbm>>
    %dma_wait3A_821 = arith.constant 0 : i32
    %dma_wait3A_822 = arith.constant 0 : i32
    %dma_wait3A_823 = tpu.memref_slice %arg4[%dma_wait3A_821, %dma_wait3A_822] : memref<100000x128xf32, #tpu.memory_space<hbm>> -> memref<8x128xf32, #tpu.memory_space<hbm>>
    %dma_wait3A_824 = arith.constant 0 : i32
    %dma_wait3A_825 = arith.constant 0 : i32
    %dma_wait3A_826 = tpu.memref_slice %arg6[%dma_wait3A_824, %dma_wait3A_825] : memref<120x128xf32, #tpu.memory_space<vmem>> -> memref<8x128xf32, #tpu.memory_space<vmem>>
    tpu.wait_dma2 semaphore(%arg14 : memref<!tpu.dma_semaphore, #tpu.memory_space<semaphore_mem>>) src(%dma_wait3A_826 : memref<8x128xf32, #tpu.memory_space<vmem>>) dst(%dma_wait3A_823 : memref<8x128xf32, #tpu.memory_space<hbm>>)
    %dma_wait3A_827 = arith.constant 0 : i32
    %dma_wait3A_828 = arith.constant 0 : i32
    %dma_wait3A_829 = tpu.memref_slice %arg7[%dma_wait3A_827, %dma_wait3A_828] : memref<120x128xf32, #tpu.memory_space<vmem>> -> memref<8x128xf32, #tpu.memory_space<vmem>>
    %dma_wait3A_830 = arith.constant 0 : i32
    %dma_wait3A_831 = arith.constant 0 : i32
    %dma_wait3A_832 = tpu.memref_slice %arg4[%dma_wait3A_830, %dma_wait3A_831] : memref<100000x128xf32, #tpu.memory_space<hbm>> -> memref<8x128xf32, #tpu.memory_space<hbm>>
    %dma_wait3A_833 = arith.constant 0 : i32
    %dma_wait3A_834 = arith.constant 0 : i32
    %dma_wait3A_835 = tpu.memref_slice %arg4[%dma_wait3A_833, %dma_wait3A_834] : memref<100000x128xf32, #tpu.memory_space<hbm>> -> memref<8x128xf32, #tpu.memory_space<hbm>>
    %dma_wait3A_836 = arith.constant 0 : i32
    %dma_wait3A_837 = arith.constant 0 : i32
    %dma_wait3A_838 = tpu.memref_slice %arg7[%dma_wait3A_836, %dma_wait3A_837] : memref<120x128xf32, #tpu.memory_space<vmem>> -> memref<8x128xf32, #tpu.memory_space<vmem>>
    tpu.wait_dma2 semaphore(%arg15 : memref<!tpu.dma_semaphore, #tpu.memory_space<semaphore_mem>>) src(%dma_wait3A_838 : memref<8x128xf32, #tpu.memory_space<vmem>>) dst(%dma_wait3A_835 : memref<8x128xf32, #tpu.memory_space<hbm>>)
    %dma_wait3A_839 = arith.constant 0 : i32
    %dma_wait3A_840 = arith.constant 0 : i32
    %dma_wait3A_841 = tpu.memref_slice %arg8[%dma_wait3A_839, %dma_wait3A_840] : memref<120x128xf32, #tpu.memory_space<vmem>> -> memref<8x128xf32, #tpu.memory_space<vmem>>
    %dma_wait3A_842 = arith.constant 0 : i32
    %dma_wait3A_843 = arith.constant 0 : i32
    %dma_wait3A_844 = tpu.memref_slice %arg4[%dma_wait3A_842, %dma_wait3A_843] : memref<100000x128xf32, #tpu.memory_space<hbm>> -> memref<8x128xf32, #tpu.memory_space<hbm>>
    %dma_wait3A_845 = arith.constant 0 : i32
    %dma_wait3A_846 = arith.constant 0 : i32
    %dma_wait3A_847 = tpu.memref_slice %arg4[%dma_wait3A_845, %dma_wait3A_846] : memref<100000x128xf32, #tpu.memory_space<hbm>> -> memref<8x128xf32, #tpu.memory_space<hbm>>
    %dma_wait3A_848 = arith.constant 0 : i32
    %dma_wait3A_849 = arith.constant 0 : i32
    %dma_wait3A_850 = tpu.memref_slice %arg8[%dma_wait3A_848, %dma_wait3A_849] : memref<120x128xf32, #tpu.memory_space<vmem>> -> memref<8x128xf32, #tpu.memory_space<vmem>>
    tpu.wait_dma2 semaphore(%arg16 : memref<!tpu.dma_semaphore, #tpu.memory_space<semaphore_mem>>) src(%dma_wait3A_850 : memref<8x128xf32, #tpu.memory_space<vmem>>) dst(%dma_wait3A_847 : memref<8x128xf32, #tpu.memory_space<hbm>>)
    %dma_wait3A_851 = arith.constant 0 : i32
    %dma_wait3A_852 = arith.constant 0 : i32
    %dma_wait3A_853 = tpu.memref_slice %arg9[%dma_wait3A_851, %dma_wait3A_852] : memref<120x128xf32, #tpu.memory_space<vmem>> -> memref<8x128xf32, #tpu.memory_space<vmem>>
    %dma_wait3A_854 = arith.constant 0 : i32
    %dma_wait3A_855 = arith.constant 0 : i32
    %dma_wait3A_856 = tpu.memref_slice %arg4[%dma_wait3A_854, %dma_wait3A_855] : memref<100000x128xf32, #tpu.memory_space<hbm>> -> memref<8x128xf32, #tpu.memory_space<hbm>>
    %dma_wait3A_857 = arith.constant 0 : i32
    %dma_wait3A_858 = arith.constant 0 : i32
    %dma_wait3A_859 = tpu.memref_slice %arg4[%dma_wait3A_857, %dma_wait3A_858] : memref<100000x128xf32, #tpu.memory_space<hbm>> -> memref<8x128xf32, #tpu.memory_space<hbm>>
    %dma_wait3A_860 = arith.constant 0 : i32
    %dma_wait3A_861 = arith.constant 0 : i32
    %dma_wait3A_862 = tpu.memref_slice %arg9[%dma_wait3A_860, %dma_wait3A_861] : memref<120x128xf32, #tpu.memory_space<vmem>> -> memref<8x128xf32, #tpu.memory_space<vmem>>
    tpu.wait_dma2 semaphore(%arg17 : memref<!tpu.dma_semaphore, #tpu.memory_space<semaphore_mem>>) src(%dma_wait3A_862 : memref<8x128xf32, #tpu.memory_space<vmem>>) dst(%dma_wait3A_859 : memref<8x128xf32, #tpu.memory_space<hbm>>)
    %lt3A = arith.constant 20 : i32
    %lt3A_863 = arith.cmpi slt, %add3A, %lt3A : i32
    %convert_element_type3A = arith.extui %lt3A_863 : i1 to i32
    %cond3A = arith.constant 0 : i32
    %cond3A_864 = arith.cmpi ne, %convert_element_type3A, %cond3A : i32
    scf.if %cond3A_864 {
      %add3A_865 = arith.constant 3120 : i32
      %add3A_866 = arith.addi %add3A_6, %add3A_865 : i32
      "tpu.region"() ({
        %run_scoped3A = tpu.sem_alloc : memref<!tpu.dma_semaphore, #tpu.memory_space<semaphore_mem>>
        %dma_start3A_885 = arith.constant 3120 : i32
        %dma_start3A_886 = tpu.memref_slice %arg5[%dma_start3A_885] : memref<3128xi32, #tpu.memory_space<vmem>> -> memref<8xi32, #tpu.memory_space<vmem>>
        %dma_start3A_887 = tpu.memref_slice %arg2[%add3A_866] : memref<100000xi32, #tpu.memory_space<hbm>> -> memref<8xi32, #tpu.memory_space<hbm>>
        %dma_start3A_888 = arith.constant 3120 : i32
        %dma_start3A_889 = tpu.memref_slice %arg5[%dma_start3A_888] : memref<3128xi32, #tpu.memory_space<vmem>> -> memref<8xi32, #tpu.memory_space<vmem>>
        %dma_start3A_890 = tpu.memref_slice %arg2[%add3A_866] : memref<100000xi32, #tpu.memory_space<hbm>> -> memref<8xi32, #tpu.memory_space<hbm>>
        tpu.enqueue_dma source(%dma_start3A_890 : memref<8xi32, #tpu.memory_space<hbm>>) target(%dma_start3A_889 : memref<8xi32, #tpu.memory_space<vmem>>) target_semaphore(%run_scoped3A : memref<!tpu.dma_semaphore, #tpu.memory_space<semaphore_mem>>)
        %dma_wait3A_891 = arith.constant 3120 : i32
        %dma_wait3A_892 = tpu.memref_slice %arg5[%dma_wait3A_891] : memref<3128xi32, #tpu.memory_space<vmem>> -> memref<8xi32, #tpu.memory_space<vmem>>
        %dma_wait3A_893 = tpu.memref_slice %arg2[%add3A_866] : memref<100000xi32, #tpu.memory_space<hbm>> -> memref<8xi32, #tpu.memory_space<hbm>>
        %dma_wait3A_894 = arith.constant 3120 : i32
        %dma_wait3A_895 = tpu.memref_slice %arg5[%dma_wait3A_894] : memref<3128xi32, #tpu.memory_space<vmem>> -> memref<8xi32, #tpu.memory_space<vmem>>
        %dma_wait3A_896 = tpu.memref_slice %arg2[%add3A_866] : memref<100000xi32, #tpu.memory_space<hbm>> -> memref<8xi32, #tpu.memory_space<hbm>>
        tpu.wait_dma2 semaphore(%run_scoped3A : memref<!tpu.dma_semaphore, #tpu.memory_space<semaphore_mem>>) src(%dma_wait3A_896 : memref<8xi32, #tpu.memory_space<hbm>>) dst(%dma_wait3A_895 : memref<8xi32, #tpu.memory_space<vmem>>)
        tpu.yield
      }) : () -> ()
      %dma_start3A_867 = arith.constant 0 : i32
      %dma_start3A_868 = arith.constant 0 : i32
      %dma_start3A_869 = tpu.memref_slice %arg6[%dma_start3A_867, %dma_start3A_868] : memref<120x128xf32, #tpu.memory_space<vmem>> -> memref<8x128xf32, #tpu.memory_space<vmem>>
      %dma_start3A_870 = arith.constant 3120 : i32
      %dma_start3A_871 = tpu.memref_slice %arg5[%dma_start3A_870] : memref<3128xi32, #tpu.memory_space<vmem>> -> memref<8xi32, #tpu.memory_space<vmem>>
      %dma_start3A_872 = arith.constant 0 : i32
      %dma_start3A_873 = arith.constant 0 : i32
      %dma_start3A_874 = tpu.memref_slice %arg3[%dma_start3A_872, %dma_start3A_873] : memref<100000x128xf32, #tpu.memory_space<hbm>> -> memref<100000x128xf32, #tpu.memory_space<hbm>>
      tpu.enqueue_indirect_dma source(%dma_start3A_874 : memref<100000x128xf32, #tpu.memory_space<hbm>>) target(%dma_start3A_869 : memref<8x128xf32, #tpu.memory_space<vmem>>) offsets(%dma_start3A_871 : memref<8xi32, #tpu.memory_space<vmem>>) semaphore(%arg10 : memref<!tpu.dma_semaphore, #tpu.memory_space<semaphore_mem>>)
      %dma_wait3A_875 = arith.constant 0 : i32
      %dma_wait3A_876 = arith.constant 0 : i32
      %dma_wait3A_877 = tpu.memref_slice %arg6[%dma_wait3A_875, %dma_wait3A_876] : memref<120x128xf32, #tpu.memory_space<vmem>> -> memref<8x128xf32, #tpu.memory_space<vmem>>
      %dma_wait3A_878 = arith.constant 3120 : i32
      %dma_wait3A_879 = tpu.memref_slice %arg5[%dma_wait3A_878] : memref<3128xi32, #tpu.memory_space<vmem>> -> memref<8xi32, #tpu.memory_space<vmem>>
      %dma_wait3A_880 = arith.constant 0 : i32
      %dma_wait3A_881 = arith.constant 0 : i32
      %dma_wait3A_882 = tpu.memref_slice %arg3[%dma_wait3A_880, %dma_wait3A_881] : memref<100000x128xf32, #tpu.memory_space<hbm>> -> memref<100000x128xf32, #tpu.memory_space<hbm>>
      tpu.wait_indirect_dma semaphore(%arg10 : memref<!tpu.dma_semaphore, #tpu.memory_space<semaphore_mem>>) src(%dma_wait3A_882 : memref<100000x128xf32, #tpu.memory_space<hbm>>) dst(%dma_wait3A_877 : memref<8x128xf32, #tpu.memory_space<vmem>>)
      %add3A_883 = arith.constant 3120 : i32
      %add3A_884 = arith.addi %add3A_6, %add3A_883 : i32
      "tpu.region"() ({
        %run_scoped3A = tpu.sem_alloc : memref<!tpu.dma_semaphore, #tpu.memory_space<semaphore_mem>>
        %dma_start3A_885 = arith.constant 0 : i32
        %dma_start3A_886 = arith.constant 0 : i32
        %dma_start3A_887 = tpu.memref_slice %arg6[%dma_start3A_885, %dma_start3A_886] : memref<120x128xf32, #tpu.memory_space<vmem>> -> memref<8x128xf32, #tpu.memory_space<vmem>>
        %dma_start3A_888 = arith.constant 0 : i32
        %dma_start3A_889 = tpu.memref_slice %arg4[%add3A_884, %dma_start3A_888] : memref<100000x128xf32, #tpu.memory_space<hbm>> -> memref<8x128xf32, #tpu.memory_space<hbm>>
        %dma_start3A_890 = arith.constant 0 : i32
        %dma_start3A_891 = tpu.memref_slice %arg4[%add3A_884, %dma_start3A_890] : memref<100000x128xf32, #tpu.memory_space<hbm>> -> memref<8x128xf32, #tpu.memory_space<hbm>>
        %dma_start3A_892 = arith.constant 0 : i32
        %dma_start3A_893 = arith.constant 0 : i32
        %dma_start3A_894 = tpu.memref_slice %arg6[%dma_start3A_892, %dma_start3A_893] : memref<120x128xf32, #tpu.memory_space<vmem>> -> memref<8x128xf32, #tpu.memory_space<vmem>>
        tpu.enqueue_dma source(%dma_start3A_894 : memref<8x128xf32, #tpu.memory_space<vmem>>) target(%dma_start3A_891 : memref<8x128xf32, #tpu.memory_space<hbm>>) target_semaphore(%run_scoped3A : memref<!tpu.dma_semaphore, #tpu.memory_space<semaphore_mem>>)
        %dma_wait3A_895 = arith.constant 0 : i32
        %dma_wait3A_896 = arith.constant 0 : i32
        %dma_wait3A_897 = tpu.memref_slice %arg6[%dma_wait3A_895, %dma_wait3A_896] : memref<120x128xf32, #tpu.memory_space<vmem>> -> memref<8x128xf32, #tpu.memory_space<vmem>>
        %dma_wait3A_898 = arith.constant 0 : i32
        %dma_wait3A_899 = tpu.memref_slice %arg4[%add3A_884, %dma_wait3A_898] : memref<100000x128xf32, #tpu.memory_space<hbm>> -> memref<8x128xf32, #tpu.memory_space<hbm>>
        %dma_wait3A_900 = arith.constant 0 : i32
        %dma_wait3A_901 = tpu.memref_slice %arg4[%add3A_884, %dma_wait3A_900] : memref<100000x128xf32, #tpu.memory_space<hbm>> -> memref<8x128xf32, #tpu.memory_space<hbm>>
        %dma_wait3A_902 = arith.constant 0 : i32
        %dma_wait3A_903 = arith.constant 0 : i32
        %dma_wait3A_904 = tpu.memref_slice %arg6[%dma_wait3A_902, %dma_wait3A_903] : memref<120x128xf32, #tpu.memory_space<vmem>> -> memref<8x128xf32, #tpu.memory_space<vmem>>
        tpu.wait_dma2 semaphore(%run_scoped3A : memref<!tpu.dma_semaphore, #tpu.memory_space<semaphore_mem>>) src(%dma_wait3A_904 : memref<8x128xf32, #tpu.memory_space<vmem>>) dst(%dma_wait3A_901 : memref<8x128xf32, #tpu.memory_space<hbm>>)
        tpu.yield
      }) : () -> ()
    } else {
    }
    return
  }
}

</mosaic_0001>

<sc_bundles>
// kernel: kernel.3.cloned.1.call-start
scs
__scs_entry_jumppad:
0x0: {  	(pc) =	sbr.rel $0x88, $3  }
0x1: {  	(tag) =	ssettag $0x0;
	lr =	simm.s32 $0x1  }
0x2: {  	[smem:$0x3F9F] =	sst lr;
	_ =	strace $0xD0000000  }
0x3: {  	_ = 	snop  }
0x4: {  	_ = 	snop  }
0x5: {  	_ = 	snop  }
0x6: {  	_ = 	snop  }
0x7: {  	_ = 	snop  }
__scs_overlays_trampoline_lowered:
0x8: {  	[smem:$0x3FAE] =	sst s0  }
0x9: {  	[smem:$0x3FAF] =	sst s1  }
0xa: {  	[smem:$0x3FB0] =	sst s2  }
0xb: {  	[smem:$0x3FB1] =	sst s3  }
0xc: {  	[smem:$0x3FB2] =	sst s4  }
0xd: {  	[smem:$0x3FB3] =	sst s5  }
0xe: {  	[smem:$0x3FB4] =	sst s6  }
0xf: {  	[smem:$0x3FB5] =	sst s7  }
0x10: {  	[smem:$0x3FB6] =	sst s8  }
0x11: {  	[smem:$0x3FB7] =	sst s9;
	s0 =	simm.s32 @!p0 $0x0  }
0x12: {  	s1 =	sld [smem:$0x3F9D];
	s0 =	simm.s32 @p0 $0x1  }
0x13: {  	[smem:$0x3FB8] =	sst s0;
	s0 =	simm.s32 @!p1 $0x0  }
0x14: {  	s2 =	sld [smem:$0x3F9C];
	s0 =	simm.s32 @p1 $0x1  }
0x15: {  	[smem:$0x3FB9] =	sst s0;
	s0 =	simm.s32 @!p2 $0x0  }
0x16: {  	s3 =	sld [smem:$0x3FDB];
	s0 =	simm.s32 @p2 $0x1  }
0x17: {  	s4 =	simm.s32 $0x1BF5;
	[smem:$0x3FBB] =	sst s0  }
0x18: {  	s0 =	sld [smem:$0x3F9E];
	_ =	swait.ge [sflag:s4], $0x0  }
0x19: {  	s7 =	sld [smem:$0x3F9F]  }
0x1a: {  	s8 =	sadd.s32 $0xFFFFE003, lr  }
0x1b: {  	s9 =	sadd.s32 $0xFFFFFEF7, lr;
	s5 =	simm.s32 $0xFFFFFFFF;
	p2 =	slt.u32 s8, $0xFFFFF086  }
0x1c: {  	p1 =	slt.u32 s9, $0xF7A;
	s5 =	simm.s32 @!p2 $0x0  }
0x1d: {  	s5 =	simm.s32 @p1 $0x1;
	p0 =	seq.s32 s7, s2  }
0x1e: {  	s7 =	smul.u32 @!p0 $0xF7A, s2;
	p2 =	seq.s32 @!p0 s5, $0x0  }
0x1f: {  	s9 =	smul.u32 $0xF7A, s1;
	s8 =	simm.s32 @!p0 $0x1BF5;
	p2 =	por !p2, p0  }
0x20: {  	[sflag:s8] =	ssyncset.s32 @!p0 $0xFFFFF086;
	s6 =	sadd.s32 @!p0 s3, s7;
	s7 =	simm.s32 @!p0 $0x108  }
0x21: {  	s3 =	sadd.s32 s3, s9;
	s6 =	sadd.s32 @!p0 $0x88, s6;
	s7 =	simm.s32 @p2 $0x1082  }
0x22: {  	[simem:s7], [sflag:s8] =	dma.local @!p0 [hbm:s6], $0xF7A  }
0x23: {  	s9 =	sor.u32 $0xD0000000, s2;
	s6 =	simm.s32 $0x108;
	_ =	swait.ge @!p0 [sflag:s8], $0x0  }
0x24: {  	s3 =	sadd.s32 $0x88, s3;
	s6 =	simm.s32 @!p1 $0x1082;
	[sflag:s4] =	ssyncset.s32 $0xFFFFF086  }
0x25: {  	[simem:s6], [sflag:s4] =	dma.local [hbm:s3], $0xF7A  }
0x26: {  	[smem:$0x3F9F] =	sst s1;
	(tag) =	ssettag s2;
	_ =	strace s9  }
0x27: {  	s1 =	sld [smem:$0x3FAF]  }
0x28: {  	s2 =	sld [smem:$0x3FB0]  }
0x29: {  	s4 =	sld [smem:$0x3FB2]  }
0x2a: {  	p0 =	seq.s32 s5, $0x0;
	s5 =	sld [smem:$0x3FB3]  }
0x2b: {  	s6 =	sld [smem:$0x3FB4]  }
0x2c: {  	s7 =	sld [smem:$0x3FB5]  }
0x2d: {  	s3 =	simm.s32 $0x108;
	s8 =	sld [smem:$0x3FB6]  }
0x2e: {  	s3 =	simm.s32 @!p0 $0x1082;
	s9 =	sld [smem:$0x3FB7]  }
0x2f: {  	lr =	sadd.s32 s0, s3;
	s0 =	sld [smem:$0x3FAE]  }
0x30: {  	s3 =	sld [smem:$0x3FB1]  }
0x31: {  	[smem:$0x3FBA] =	sst s10  }
0x32: {  	s10 =	sld [smem:$0x3FB8];
	_ =	sdelay $0x3  }
0x33: {  	p0 =	seq.s32 s10, $0x1;
	s10 =	sld [smem:$0x3FBA];
	_ =	sdelay $0x3  }
0x34: {  	[smem:$0x3FBA] =	sst s10  }
0x35: {  	s10 =	sld [smem:$0x3FB9];
	_ =	sdelay $0x3  }
0x36: {  	p1 =	seq.s32 s10, $0x1;
	s10 =	sld [smem:$0x3FBA];
	_ =	sdelay $0x3  }
0x37: {  	[smem:$0x3FBA] =	sst s10  }
0x38: {  	s10 =	sld [smem:$0x3FBB]  }
0x39: {  	_ = 	snop;
	(pc) =	sbr.ind lr, $3  }
0x3a: {  	_ = 	snop  }
0x3b: {  	_ = 	snop  }
0x3c: {  	p2 =	seq.s32 s10, $0x1;
	s10 =	sld [smem:$0x3FBA]  }
0x3d: {  	_ =	shalt  }
0x3e: {  	_ =	shalt  }
0x3f: {  	_ =	shalt  }
0x40: {  	_ =	shalt  }
0x41: {  	_ =	shalt  }
0x42: {  	_ =	shalt  }
0x43: {  	_ =	shalt  }
0x44: {  	_ =	shalt  }
0x45: {  	_ =	shalt  }
0x46: {  	_ =	shalt  }
0x47: {  	_ =	shalt  }
0x48: {  	_ =	shalt  }
0x49: {  	_ =	shalt  }
0x4a: {  	_ =	shalt  }
0x4b: {  	_ =	shalt  }
0x4c: {  	_ =	shalt  }
0x4d: {  	_ =	shalt  }
0x4e: {  	_ =	shalt  }
0x4f: {  	_ =	shalt  }
0x50: {  	_ =	shalt  }
0x51: {  	_ =	shalt  }
0x52: {  	_ =	shalt  }
0x53: {  	_ =	shalt  }
0x54: {  	_ =	shalt  }
0x55: {  	_ =	shalt  }
0x56: {  	_ =	shalt  }
0x57: {  	_ =	shalt  }
0x58: {  	_ =	shalt  }
0x59: {  	_ =	shalt  }
0x5a: {  	_ =	shalt  }
0x5b: {  	_ =	shalt  }
0x5c: {  	_ =	shalt  }
0x5d: {  	_ =	shalt  }
0x5e: {  	_ =	shalt  }
0x5f: {  	_ =	shalt  }
0x60: {  	_ =	shalt  }
0x61: {  	_ =	shalt  }
0x62: {  	_ =	shalt  }
0x63: {  	_ =	shalt  }
0x64: {  	_ =	shalt  }
0x65: {  	_ =	shalt  }
0x66: {  	_ =	shalt  }
0x67: {  	_ =	shalt  }
0x68: {  	_ =	shalt  }
0x69: {  	_ =	shalt  }
0x6a: {  	_ =	shalt  }
0x6b: {  	_ =	shalt  }
0x6c: {  	_ =	shalt  }
0x6d: {  	_ =	shalt  }
0x6e: {  	_ =	shalt  }
0x6f: {  	_ =	shalt  }
0x70: {  	_ =	shalt  }
0x71: {  	_ =	shalt  }
0x72: {  	_ =	shalt  }
0x73: {  	_ =	shalt  }
0x74: {  	_ =	shalt  }
0x75: {  	_ =	shalt  }
0x76: {  	_ =	shalt  }
0x77: {  	_ =	shalt  }
0x78: {  	_ =	shalt  }
0x79: {  	_ =	shalt  }
0x7a: {  	_ =	shalt  }
0x7b: {  	_ =	shalt  }
0x7c: {  	_ =	shalt  }
0x7d: {  	_ =	shalt  }
0x7e: {  	_ =	shalt  }
0x7f: {  	_ =	shalt  }
0x80: {  	_ =	shalt  }
0x81: {  	_ =	shalt  }
0x82: {  	_ =	shalt  }
0x83: {  	_ =	shalt  }
0x84: {  	_ =	shalt  }
0x85: {  	_ =	shalt  }
0x86: {  	_ =	shalt  }
0x87: {  	_ =	shalt  }
.Lfunc_end0:
.L_simem_size_0:
called_computation_lowered:
.L_overlay_start_0:
0x88: {  	s2 =	sld [smem:$0x3FD9]  }
0x89: {  	s3 =	sld [smem:$0x3FFE];
	_ =	sdelay $0x1  }
0x8a: {  	s1 =	srdreg.scid  }
0x8b: {  	s0 =	sand.u32 $0x1, s1  }
0x8c: {  	s18 =	sshll.u32 s0, $0xA;
	s2 =	sadd.s32 s3, s2  }
0x8d: {  	s2 =	sadd.s32 s2, s18  }
0x8e: {  	[smem:$0x3FC6] =	sst s2  }
0x8f: {  	_ = 	snop  }
0x90: {  	s2 =	sld [smem:$0x3FC9]  }
0x91: {  	s19 =	sld [smem:$0x3FC8]  }
0x92: {  	s4 =	sld [smem:$0x3FD0];
	(tm) =	ssettm $0x1  }
0x93: {  	s5 =	sld [smem:$0x3FFB];
	_ =	sdelay $0x3  }
0x94: {  	_ =	strace s5  }
0x95: {  	s5 =	sld [smem:$0x3FFC];
	_ =	sdelay $0x3  }
0x96: {  	_ =	strace s5  }
0x97: {  	s5 =	sld [smem:$0x3FFD];
	_ =	sdelay $0x3  }
0x98: {  	_ =	strace s5  }
0x99: {  	_ =	strace $0x8FFFFFFF  }
0x9a: {  	s20 =	sld [smem:$0x3FDB];
	_ =	sdelay $0x1  }
0x9b: {  	s6 =	simm.s32 $_scs_section_size  }
0x9c: {  	s7 =	simm.s32 $_size__tile_overlayer_lowered;
	s8 =	simm.s32 $_tile_overlayer_lowered  }
0x9d: {  	s23 =	simm.s32 $0x1BFF;
	s22 =	sshll.u32 s8, $0x1;
	s5 =	sadd.s32 s6, s20  }
0x9e: {  	s9 =	simm.s32 $0x0;
	s21 =	sshll.u32 s7, $0x1;
	s7 =	sadd.s32 s22, s5  }
0x9f: {  	[timem:s9], [sflag:s23] =	dma.local [hbm:s7], s21  }
0xa0: {  	_ =	swait.ge [sflag:s23], s21  }
0xa1: {  	s6 =	ssub.s32 $0x0, s21;
	[sflag:s23] =	ssyncset.done $0x0  }
0xa2: {  	[sflag:s23] =	ssyncadd.s32 s6;
	_ =	sdelay $0x1  }
0xa3: {  	s24 =	simm.s32 $0x1B8B  }
0xa4: {  	_ =	swait.ge [sflag:s24], $0x1  }
0xa5: {  	[sflag:s24] =	ssyncset.done $0x0  }
0xa6: {  	s25 =	simm.s32 $0x1B8E;
	[sflag:s24] =	ssyncadd.s32 $0xFFFFFFFF  }
0xa7: {  	s26 =	simm.s32 $execute0_lowered;
	[smem:$0x3FD2] =	sst s25  }
0xa8: {  	s6 =	sshll.u32 s26, $0x1;
	_ =	strace $0x80000046;
	[dreg:$0x1] =	wrdreg $0xFFFFFFFF  }
0xa9: {  	s28 =	simm.s32 $_size_execute0_lowered;
	s5 =	sadd.s32 s5, s6;
	[dreg:$0x0] =	wrdreg $0x0  }
0xaa: {  	s6 =	sshll.u32 s28, $0x1;
	[dreg:$0x2] =	wrdreg s5  }
0xab: {  	[dreg:$0x3] =	wrdreg s6  }
0xac: {  	[dreg:$0x4] =	wrdreg $0xC0  }
0xad: {  	_ =	task [dreg:s9], $0x5FFFF  }
0xae: {  	[dreg:$0x1] =	wrdreg $0xFFFFFFFF  }
0xaf: {  	[dreg:$0x0] =	wrdreg $0x60  }
0xb0: {  	[dreg:$0x2] =	wrdreg s2  }
0xb1: {  	[dreg:$0x3] =	wrdreg s19  }
0xb2: {  	[dreg:$0x4] =	wrdreg s4  }
0xb3: {  	[dreg:$0x5] =	wrdreg $0x9  }
0xb4: {  	_ =	task.clear_ibuf [dreg:s9], $0x6FFFF;
	_ =	strace $0x90000046  }
0xb5: {  	s29 =	simm.s32 $0x9;
	_ =	strace $0x80000048  }
0xb6: {  	_ =	swait.ge [sflag:s29], $0x1  }
0xb7: {  	[sflag:s29] =	ssyncadd.s32 $0xFFFFFFFF  }
0xb8: {  	_ =	strace $0x90000048  }
0xb9: {  	_ =	sfence  }
0xba: {  	s30 =	sld [smem:$0x0];
	_ =	sdelay $0x2  }
0xbb: {  	s31 =	sshll.u32 s1, $0xD;
	s1 =	sshrl.u32 s1, $0x2  }
0xbc: {  	s3 =	sand.u32 $0x4000, s31;
	s1 =	sadd.s32 s1, s30  }
0xbd: {  	s0 =	sor.u32 s3, s0;
	s1 =	sshll.u32 s1, $0x11  }
0xbe: {  	s0 =	sor.u32 s1, s0  }
0xbf: {  	s0 =	sadd.s32 $0x8F2B, s0  }
0xc0: {  	[sflag:s0] =	ssyncadd.remote.s32 $0x1  }
0xc1: {  	_ =	sfence.sel $0xFFFF  }
0xc2: {  	[dreg:$0x0] =	wrdreg $0xFFFFFFFF;
	(pc) =	sbr.abs _section_cstart, $3  }
0xc3: {  	[dreg:$0x1] =	wrdreg $0xFFFFFFFF  }
0xc4: {  	_ =	task.clear_ibuf [dreg:s9], $0x2FFFF;
	_ =	strace $0x9FFFFFFF  }
0xc5: {  	(tm) =	ssettm $0x7FFFFFFF  }
tec
execute0_lowered:
.L_overlay_start_1:
0x0: {  	(tag) =	ssettag $0x1  }
0x1: {  	s0 =	srdreg.scid;
	s19 =	stileid.u32  }
0x2: {  	s0 =	sand.u32 $0x1, s0;
	s1 =	sshll.u32 s19, $0x1  }
0x3: {  	s4 =	rddreg [dreg:$0x0];
	s1 =	sor.u32 s0, s1  }
0x4: {  	s2 =	rddreg [dreg:$0x1];
	s5 =	smul.u32 $0xC30, s1;
	s3 =	smin.u32 s1, $0x14  }
0x5: {  	s1 =	rddreg [dreg:$0x2];
	s6 =	sshll.u32 s3, $0x3;
	s3 =	simm.s32 $0x0  }
0x6: {  	s18 =	simm.s32 $0xF0;
	[smem:$0x7FF] =	sst s3  }
0x7: {  	s20 =	simm.s32 $0x168;
	_ =	strace $0x80000047;
	[dreg:$0x7] =	wrdreg s18  }
0x8: {  	s21 =	simm.s32 $0x1E0;
	[dreg:$0x8] =	wrdreg s20  }
0x9: {  	s22 =	simm.s32 $0x258;
	[dreg:$0x9] =	wrdreg s21  }
0xa: {  	s23 =	simm.s32 $0x2D0;
	[dreg:$0xa] =	wrdreg s22  }
0xb: {  	s24 =	simm.s32 $0x348;
	[dreg:$0xb] =	wrdreg s23  }
0xc: {  	s25 =	simm.s32 $0x3C0;
	[dreg:$0xc] =	wrdreg s24  }
0xd: {  	s26 =	simm.s32 $0x438;
	[dreg:$0xd] =	wrdreg s25  }
0xe: {  	s8 =	simm.s32 $0x618;
	[dreg:$0xe] =	wrdreg s26  }
0xf: {  	s9 =	simm.s32 $0x690;
	[dreg:$0x12] =	wrdreg s8  }
0x10: {  	s11 =	simm.s32 $0x708;
	[dreg:$0x13] =	wrdreg s9  }
0x11: {  	s12 =	simm.s32 $0x780;
	s13 =	simm.s32 $0x7F8;
	[dreg:$0x14] =	wrdreg s11  }
0x12: {  	s15 =	simm.s32 $0x870;
	s10 =	sadd.s32 s5, s6;
	[dreg:$0x15] =	wrdreg s12  }
0x13: {  	s5 =	sshrl.u32 s10, $0x3;
	s6 =	sadd.s32 $0xC30, s10;
	[dreg:$0x16] =	wrdreg s13  }
0x14: {  	[dreg:$0x17] =	wrdreg s15;
	s5 =	sadd.s32 s4, s5;
	s7 =	sshrl.u32 s6, $0x3  }
0x15: {  	s16 =	sshll.u32 s6, $0x4;
	s6 =	simm.s32 $0x528;
	[dreg:$0x4] =	wrdreg s5  }
0x16: {  	s4 =	sadd.s32 s4, s7;
	[dreg:$0x10] =	wrdreg s6  }
0x17: {  	s17 =	sadd.s32 s1, s16;
	[dreg:$0x5] =	wrdreg s4  }
0x18: {  	s5 =	simm.s32 $0x4B0;
	[dreg:$0x6] =	wrdreg s17  }
0x19: {  	s7 =	simm.s32 $0x5A0;
	[dreg:$0xf] =	wrdreg s5  }
0x1a: {  	[dreg:$0x11] =	wrdreg s7  }
0x1b: {  	s14 =	rddreg [dreg:$0x4];
	s4 =	simm.s32 $0x9  }
0x1c: {  	[tilespmem:s3], [sflag:$0x9] =	stream.linear.gather [hbm4b:s14+s3], $0xC30, $0x38;
	[tilespmem:$0xFC80] =	vst v63  }
0x1d: {  	_ =	swait.ge [sflag:s4], $0xC30  }
0x1e: {  	[sflag:s4] =	ssyncset.done $0x0  }
0x1f: {  	s6 =	simm.s32 $0xC80;
	s5 =	simm.s32 $0x78;
	[sflag:s4] =	ssyncadd.s32 $0xFFFFF3D0  }
0x20: {  	[tilespmem:s6], [sflag:$0x1] =	stream.indirect.gather [hbm4b:s2+s5], $0x80, s3, s5, $0xb8;
	[tilespmem:$0xFC80] =	vst v63  }
0x21: {  	s7 =	simm.s32 $0x4880  }
0x22: {  	[tilespmem:s7], [sflag:$0x2] =	stream.indirect.gather [hbm4b:s2+s5], $0x80, s5, s5, $0xb8;
	[tilespmem:$0xFC80] =	vst v63  }
0x23: {  	s8 =	simm.s32 $0x8480;
	s9 =	simm.s32 $0x1;
	s11 =	rddreg [dreg:$0x7]  }
0x24: {  	[tilespmem:s8], [sflag:$0x3] =	stream.indirect.gather [hbm4b:s2+s5], $0x80, s11, s5, $0xb8;
	[tilespmem:$0xFC80] =	vst v63  }
0x25: {  	_ =	swait.ge [sflag:s9], $0x3C00  }
0x26: {  	s10 =	sshll.u32 s10, $0x4;
	[sflag:s9] =	ssyncset.done $0x0  }
0x27: {  	s10 =	sadd.s32 s1, s10;
	[sflag:s9] =	ssyncadd.s32 $0xFFFFC400  }
0x28: {  	[hbm4b:s10+s3] =	stream.linear.scatter [tilespmem:s6], [sflag:$0x5], $0x400, $0x38;
	[tilespmem:$0xFC80] =	vst v63  }
0x29: {  	s12 =	simm.s32 $0x2;
	s11 =	simm.s32 $0xC080;
	s16 =	rddreg [dreg:$0x8]  }
0x2a: {  	[tilespmem:s11], [sflag:$0x4] =	stream.indirect.gather [hbm4b:s2+s5], $0x80, s16, s5, $0xb8;
	[tilespmem:$0xFC80] =	vst v63  }
0x2b: {  	_ =	swait.ge [sflag:s12], $0x3C00  }
0x2c: {  	[sflag:s12] =	ssyncset.done $0x0  }
0x2d: {  	s13 =	simm.s32 $0x5;
	[sflag:s12] =	ssyncadd.s32 $0xFFFFC400  }
0x2e: {  	[hbm4b:s10+s3] =	stream.linear.scatter [tilespmem:s7], [sflag:$0x6], $0x400, $0x38;
	[tilespmem:$0xFC80] =	vst v63  }
0x2f: {  	_ =	swait.ge [sflag:s13], $0x400  }
0x30: {  	[sflag:s13] =	ssyncset.done $0x0  }
0x31: {  	s14 =	simm.s32 $0x3;
	s17 =	rddreg [dreg:$0x9];
	[sflag:s13] =	ssyncadd.s32 $0xFFFFFC00  }
0x32: {  	[tilespmem:s6], [sflag:$0x1] =	stream.indirect.gather [hbm4b:s2+s5], $0x80, s17, s5, $0xb8;
	[tilespmem:$0xFC80] =	vst v63  }
0x33: {  	_ =	swait.ge [sflag:s14], $0x3C00  }
0x34: {  	[sflag:s14] =	ssyncset.done $0x0  }
0x35: {  	s15 =	simm.s32 $0x6;
	[sflag:s14] =	ssyncadd.s32 $0xFFFFC400  }
0x36: {  	[hbm4b:s10+s3] =	stream.linear.scatter [tilespmem:s8], [sflag:$0x7], $0x400, $0x38;
	[tilespmem:$0xFC80] =	vst v63  }
0x37: {  	_ =	swait.ge [sflag:s15], $0x400  }
0x38: {  	[sflag:s15] =	ssyncset.done $0x0  }
0x39: {  	s16 =	simm.s32 $0x4;
	s18 =	rddreg [dreg:$0xa];
	[sflag:s15] =	ssyncadd.s32 $0xFFFFFC00  }
0x3a: {  	[tilespmem:s7], [sflag:$0x2] =	stream.indirect.gather [hbm4b:s2+s5], $0x80, s18, s5, $0xb8;
	[tilespmem:$0xFC80] =	vst v63  }
0x3b: {  	_ =	swait.ge [sflag:s16], $0x3C00  }
0x3c: {  	[sflag:s16] =	ssyncset.done $0x0  }
0x3d: {  	s17 =	simm.s32 $0x7;
	[sflag:s16] =	ssyncadd.s32 $0xFFFFC400  }
0x3e: {  	[hbm4b:s10+s3] =	stream.linear.scatter [tilespmem:s11], [sflag:$0x8], $0x400, $0x38;
	[tilespmem:$0xFC80] =	vst v63  }
0x3f: {  	_ =	swait.ge [sflag:s17], $0x400  }
0x40: {  	[sflag:s17] =	ssyncset.done $0x0  }
0x41: {  	s20 =	rddreg [dreg:$0xb];
	[sflag:s17] =	ssyncadd.s32 $0xFFFFFC00  }
0x42: {  	[tilespmem:s8], [sflag:$0x3] =	stream.indirect.gather [hbm4b:s2+s5], $0x80, s20, s5, $0xb8;
	[tilespmem:$0xFC80] =	vst v63  }
0x43: {  	_ =	swait.ge [sflag:s9], $0x3C00  }
0x44: {  	[sflag:s9] =	ssyncset.done $0x0  }
0x45: {  	s18 =	simm.s32 $0x8;
	[sflag:s9] =	ssyncadd.s32 $0xFFFFC400  }
0x46: {  	[hbm4b:s10+s3] =	stream.linear.scatter [tilespmem:s6], [sflag:$0x5], $0x400, $0x38;
	[tilespmem:$0xFC80] =	vst v63  }
0x47: {  	_ =	swait.ge [sflag:s18], $0x400  }
0x48: {  	[sflag:s18] =	ssyncset.done $0x0  }
0x49: {  	s21 =	rddreg [dreg:$0xc];
	[sflag:s18] =	ssyncadd.s32 $0xFFFFFC00  }
0x4a: {  	[tilespmem:s11], [sflag:$0x4] =	stream.indirect.gather [hbm4b:s2+s5], $0x80, s21, s5, $0xb8;
	[tilespmem:$0xFC80] =	vst v63  }
0x4b: {  	_ =	swait.ge [sflag:s12], $0x3C00  }
0x4c: {  	[sflag:s12] =	ssyncset.done $0x0  }
0x4d: {  	[sflag:s12] =	ssyncadd.s32 $0xFFFFC400  }
0x4e: {  	[hbm4b:s10+s3] =	stream.linear.scatter [tilespmem:s7], [sflag:$0x6], $0x400, $0x38;
	[tilespmem:$0xFC80] =	vst v63  }
0x4f: {  	_ =	swait.ge [sflag:s13], $0x400  }
0x50: {  	[sflag:s13] =	ssyncset.done $0x0  }
0x51: {  	s22 =	rddreg [dreg:$0xd];
	[sflag:s13] =	ssyncadd.s32 $0xFFFFFC00  }
0x52: {  	[tilespmem:s6], [sflag:$0x1] =	stream.indirect.gather [hbm4b:s2+s5], $0x80, s22, s5, $0xb8;
	[tilespmem:$0xFC80] =	vst v63  }
0x53: {  	_ =	swait.ge [sflag:s14], $0x3C00  }
0x54: {  	[sflag:s14] =	ssyncset.done $0x0  }
0x55: {  	[sflag:s14] =	ssyncadd.s32 $0xFFFFC400  }
0x56: {  	[hbm4b:s10+s3] =	stream.linear.scatter [tilespmem:s8], [sflag:$0x7], $0x400, $0x38;
	[tilespmem:$0xFC80] =	vst v63  }
0x57: {  	_ =	swait.ge [sflag:s15], $0x400  }
0x58: {  	[sflag:s15] =	ssyncset.done $0x0  }
0x59: {  	s23 =	rddreg [dreg:$0xe];
	[sflag:s15] =	ssyncadd.s32 $0xFFFFFC00  }
0x5a: {  	[tilespmem:s7], [sflag:$0x2] =	stream.indirect.gather [hbm4b:s2+s5], $0x80, s23, s5, $0xb8;
	[tilespmem:$0xFC80] =	vst v63  }
0x5b: {  	_ =	swait.ge [sflag:s16], $0x3C00  }
0x5c: {  	[sflag:s16] =	ssyncset.done $0x0  }
0x5d: {  	[sflag:s16] =	ssyncadd.s32 $0xFFFFC400  }
0x5e: {  	[hbm4b:s10+s3] =	stream.linear.scatter [tilespmem:s11], [sflag:$0x8], $0x400, $0x38;
	[tilespmem:$0xFC80] =	vst v63  }
0x5f: {  	_ =	swait.ge [sflag:s17], $0x400  }
0x60: {  	[sflag:s17] =	ssyncset.done $0x0  }
0x61: {  	s24 =	rddreg [dreg:$0xf];
	[sflag:s17] =	ssyncadd.s32 $0xFFFFFC00  }
0x62: {  	[tilespmem:s8], [sflag:$0x3] =	stream.indirect.gather [hbm4b:s2+s5], $0x80, s24, s5, $0xb8;
	[tilespmem:$0xFC80] =	vst v63  }
0x63: {  	_ =	swait.ge [sflag:s9], $0x3C00  }
0x64: {  	[sflag:s9] =	ssyncset.done $0x0  }
0x65: {  	[sflag:s9] =	ssyncadd.s32 $0xFFFFC400  }
0x66: {  	[hbm4b:s10+s3] =	stream.linear.scatter [tilespmem:s6], [sflag:$0x5], $0x400, $0x38;
	[tilespmem:$0xFC80] =	vst v63  }
0x67: {  	_ =	swait.ge [sflag:s18], $0x400  }
0x68: {  	[sflag:s18] =	ssyncset.done $0x0  }
0x69: {  	s25 =	rddreg [dreg:$0x10];
	[sflag:s18] =	ssyncadd.s32 $0xFFFFFC00  }
0x6a: {  	[tilespmem:s11], [sflag:$0x4] =	stream.indirect.gather [hbm4b:s2+s5], $0x80, s25, s5, $0xb8;
	[tilespmem:$0xFC80] =	vst v63  }
0x6b: {  	_ =	swait.ge [sflag:s12], $0x3C00  }
0x6c: {  	[sflag:s12] =	ssyncset.done $0x0  }
0x6d: {  	[sflag:s12] =	ssyncadd.s32 $0xFFFFC400  }
0x6e: {  	[hbm4b:s10+s3] =	stream.linear.scatter [tilespmem:s7], [sflag:$0x6], $0x400, $0x38;
	[tilespmem:$0xFC80] =	vst v63  }
0x6f: {  	_ =	swait.ge [sflag:s13], $0x400  }
0x70: {  	[sflag:s13] =	ssyncset.done $0x0  }
0x71: {  	s26 =	rddreg [dreg:$0x11];
	[sflag:s13] =	ssyncadd.s32 $0xFFFFFC00  }
0x72: {  	[tilespmem:s6], [sflag:$0x1] =	stream.indirect.gather [hbm4b:s2+s5], $0x80, s26, s5, $0xb8;
	[tilespmem:$0xFC80] =	vst v63  }
0x73: {  	_ =	swait.ge [sflag:s14], $0x3C00  }
0x74: {  	[sflag:s14] =	ssyncset.done $0x0  }
0x75: {  	[sflag:s14] =	ssyncadd.s32 $0xFFFFC400  }
0x76: {  	[hbm4b:s10+s3] =	stream.linear.scatter [tilespmem:s8], [sflag:$0x7], $0x400, $0x38;
	[tilespmem:$0xFC80] =	vst v63  }
0x77: {  	_ =	swait.ge [sflag:s15], $0x400  }
0x78: {  	[sflag:s15] =	ssyncset.done $0x0  }
0x79: {  	s20 =	rddreg [dreg:$0x12];
	[sflag:s15] =	ssyncadd.s32 $0xFFFFFC00  }
0x7a: {  	[tilespmem:s7], [sflag:$0x2] =	stream.indirect.gather [hbm4b:s2+s5], $0x80, s20, s5, $0xb8;
	[tilespmem:$0xFC80] =	vst v63  }
0x7b: {  	_ =	swait.ge [sflag:s16], $0x3C00  }
0x7c: {  	[sflag:s16] =	ssyncset.done $0x0  }
0x7d: {  	[sflag:s16] =	ssyncadd.s32 $0xFFFFC400  }
0x7e: {  	[hbm4b:s10+s3] =	stream.linear.scatter [tilespmem:s11], [sflag:$0x8], $0x400, $0x38;
	[tilespmem:$0xFC80] =	vst v63  }
0x7f: {  	_ =	swait.ge [sflag:s17], $0x400  }
0x80: {  	[sflag:s17] =	ssyncset.done $0x0  }
0x81: {  	s21 =	rddreg [dreg:$0x13];
	[sflag:s17] =	ssyncadd.s32 $0xFFFFFC00  }
0x82: {  	[tilespmem:s8], [sflag:$0x3] =	stream.indirect.gather [hbm4b:s2+s5], $0x80, s21, s5, $0xb8;
	[tilespmem:$0xFC80] =	vst v63  }
0x83: {  	_ =	swait.ge [sflag:s9], $0x3C00  }
0x84: {  	[sflag:s9] =	ssyncset.done $0x0  }
0x85: {  	[sflag:s9] =	ssyncadd.s32 $0xFFFFC400  }
0x86: {  	[hbm4b:s10+s3] =	stream.linear.scatter [tilespmem:s6], [sflag:$0x5], $0x400, $0x38;
	[tilespmem:$0xFC80] =	vst v63  }
0x87: {  	_ =	swait.ge [sflag:s18], $0x400  }
0x88: {  	[sflag:s18] =	ssyncset.done $0x0  }
0x89: {  	s22 =	rddreg [dreg:$0x14];
	[sflag:s18] =	ssyncadd.s32 $0xFFFFFC00  }
0x8a: {  	[tilespmem:s11], [sflag:$0x4] =	stream.indirect.gather [hbm4b:s2+s5], $0x80, s22, s5, $0xb8;
	[tilespmem:$0xFC80] =	vst v63  }
0x8b: {  	_ =	swait.ge [sflag:s12], $0x3C00  }
0x8c: {  	[sflag:s12] =	ssyncset.done $0x0  }
0x8d: {  	[sflag:s12] =	ssyncadd.s32 $0xFFFFC400  }
0x8e: {  	[hbm4b:s10+s3] =	stream.linear.scatter [tilespmem:s7], [sflag:$0x6], $0x400, $0x38;
	[tilespmem:$0xFC80] =	vst v63  }
0x8f: {  	_ =	swait.ge [sflag:s13], $0x400  }
0x90: {  	[sflag:s13] =	ssyncset.done $0x0  }
0x91: {  	s23 =	rddreg [dreg:$0x15];
	[sflag:s13] =	ssyncadd.s32 $0xFFFFFC00  }
0x92: {  	[tilespmem:s6], [sflag:$0x1] =	stream.indirect.gather [hbm4b:s2+s5], $0x80, s23, s5, $0xb8;
	[tilespmem:$0xFC80] =	vst v63  }
0x93: {  	_ =	swait.ge [sflag:s14], $0x3C00  }
0x94: {  	[sflag:s14] =	ssyncset.done $0x0  }
0x95: {  	[sflag:s14] =	ssyncadd.s32 $0xFFFFC400  }
0x96: {  	[hbm4b:s10+s3] =	stream.linear.scatter [tilespmem:s8], [sflag:$0x7], $0x400, $0x38;
	[tilespmem:$0xFC80] =	vst v63  }
0x97: {  	_ =	swait.ge [sflag:s15], $0x400  }
0x98: {  	[sflag:s15] =	ssyncset.done $0x0  }
0x99: {  	s24 =	rddreg [dreg:$0x16];
	[sflag:s15] =	ssyncadd.s32 $0xFFFFFC00  }
0x9a: {  	[tilespmem:s7], [sflag:$0x2] =	stream.indirect.gather [hbm4b:s2+s5], $0x80, s24, s5, $0xb8;
	[tilespmem:$0xFC80] =	vst v63  }
0x9b: {  	_ =	swait.ge [sflag:s16], $0x3C00  }
0x9c: {  	[sflag:s16] =	ssyncset.done $0x0  }
0x9d: {  	[sflag:s16] =	ssyncadd.s32 $0xFFFFC400  }
0x9e: {  	[hbm4b:s10+s3] =	stream.linear.scatter [tilespmem:s11], [sflag:$0x8], $0x400, $0x38;
	[tilespmem:$0xFC80] =	vst v63  }
0x9f: {  	_ =	swait.ge [sflag:s17], $0x400  }
0xa0: {  	[sflag:s17] =	ssyncset.done $0x0  }
0xa1: {  	s25 =	rddreg [dreg:$0x17];
	[sflag:s17] =	ssyncadd.s32 $0xFFFFFC00  }
0xa2: {  	[tilespmem:s8], [sflag:$0x3] =	stream.indirect.gather [hbm4b:s2+s5], $0x80, s25, s5, $0xb8;
	[tilespmem:$0xFC80] =	vst v63  }
0xa3: {  	_ =	swait.ge [sflag:s9], $0x3C00  }
0xa4: {  	[sflag:s9] =	ssyncset.done $0x0  }
0xa5: {  	[sflag:s9] =	ssyncadd.s32 $0xFFFFC400  }
0xa6: {  	[hbm4b:s10+s3] =	stream.linear.scatter [tilespmem:s6], [sflag:$0x5], $0x400, $0x38;
	[tilespmem:$0xFC80] =	vst v63  }
0xa7: {  	_ =	swait.ge [sflag:s18], $0x400  }
0xa8: {  	[sflag:s18] =	ssyncset.done $0x0  }
0xa9: {  	s26 =	simm.s32 $0x8E8;
	[sflag:s18] =	ssyncadd.s32 $0xFFFFFC00  }
0xaa: {  	[tilespmem:s11], [sflag:$0x4] =	stream.indirect.gather [hbm4b:s2+s5], $0x80, s26, s5, $0xb8;
	[tilespmem:$0xFC80] =	vst v63  }
0xab: {  	_ =	swait.ge [sflag:s12], $0x3C00  }
0xac: {  	[sflag:s12] =	ssyncset.done $0x0  }
0xad: {  	[sflag:s12] =	ssyncadd.s32 $0xFFFFC400  }
0xae: {  	[hbm4b:s10+s3] =	stream.linear.scatter [tilespmem:s7], [sflag:$0x6], $0x400, $0x38;
	[tilespmem:$0xFC80] =	vst v63  }
0xaf: {  	_ =	swait.ge [sflag:s13], $0x400  }
0xb0: {  	[sflag:s13] =	ssyncset.done $0x0  }
0xb1: {  	s20 =	simm.s32 $0x960;
	[sflag:s13] =	ssyncadd.s32 $0xFFFFFC00  }
0xb2: {  	[tilespmem:s6], [sflag:$0x1] =	stream.indirect.gather [hbm4b:s2+s5], $0x80, s20, s5, $0xb8;
	[tilespmem:$0xFC80] =	vst v63  }
0xb3: {  	_ =	swait.ge [sflag:s14], $0x3C00  }
0xb4: {  	[sflag:s14] =	ssyncset.done $0x0  }
0xb5: {  	[sflag:s14] =	ssyncadd.s32 $0xFFFFC400  }
0xb6: {  	[hbm4b:s10+s3] =	stream.linear.scatter [tilespmem:s8], [sflag:$0x7], $0x400, $0x38;
	[tilespmem:$0xFC80] =	vst v63  }
0xb7: {  	_ =	swait.ge [sflag:s15], $0x400  }
0xb8: {  	[sflag:s15] =	ssyncset.done $0x0  }
0xb9: {  	s21 =	simm.s32 $0x9D8;
	[sflag:s15] =	ssyncadd.s32 $0xFFFFFC00  }
0xba: {  	[tilespmem:s7], [sflag:$0x2] =	stream.indirect.gather [hbm4b:s2+s5], $0x80, s21, s5, $0xb8;
	[tilespmem:$0xFC80] =	vst v63  }
0xbb: {  	_ =	swait.ge [sflag:s16], $0x3C00  }
0xbc: {  	[sflag:s16] =	ssyncset.done $0x0  }
0xbd: {  	[sflag:s16] =	ssyncadd.s32 $0xFFFFC400  }
0xbe: {  	[hbm4b:s10+s3] =	stream.linear.scatter [tilespmem:s11], [sflag:$0x8], $0x400, $0x38;
	[tilespmem:$0xFC80] =	vst v63  }
0xbf: {  	_ =	swait.ge [sflag:s17], $0x400  }
0xc0: {  	[sflag:s17] =	ssyncset.done $0x0  }
0xc1: {  	s22 =	simm.s32 $0xA50;
	[sflag:s17] =	ssyncadd.s32 $0xFFFFFC00  }
0xc2: {  	[tilespmem:s8], [sflag:$0x3] =	stream.indirect.gather [hbm4b:s2+s5], $0x80, s22, s5, $0xb8;
	[tilespmem:$0xFC80] =	vst v63  }
0xc3: {  	_ =	swait.ge [sflag:s9], $0x3C00  }
0xc4: {  	[sflag:s9] =	ssyncset.done $0x0  }
0xc5: {  	[sflag:s9] =	ssyncadd.s32 $0xFFFFC400  }
0xc6: {  	[hbm4b:s10+s3] =	stream.linear.scatter [tilespmem:s6], [sflag:$0x5], $0x400, $0x38;
	[tilespmem:$0xFC80] =	vst v63  }
0xc7: {  	_ =	swait.ge [sflag:s18], $0x400  }
0xc8: {  	[sflag:s18] =	ssyncset.done $0x0  }
0xc9: {  	s23 =	simm.s32 $0xAC8;
	[sflag:s18] =	ssyncadd.s32 $0xFFFFFC00  }
0xca: {  	[tilespmem:s11], [sflag:$0x4] =	stream.indirect.gather [hbm4b:s2+s5], $0x80, s23, s5, $0xb8;
	[tilespmem:$0xFC80] =	vst v63  }
0xcb: {  	_ =	swait.ge [sflag:s12], $0x3C00  }
0xcc: {  	[sflag:s12] =	ssyncset.done $0x0  }
0xcd: {  	[sflag:s12] =	ssyncadd.s32 $0xFFFFC400  }
0xce: {  	[hbm4b:s10+s3] =	stream.linear.scatter [tilespmem:s7], [sflag:$0x6], $0x400, $0x38;
	[tilespmem:$0xFC80] =	vst v63  }
0xcf: {  	_ =	swait.ge [sflag:s13], $0x400  }
0xd0: {  	[sflag:s13] =	ssyncset.done $0x0  }
0xd1: {  	s24 =	simm.s32 $0xB40;
	[sflag:s13] =	ssyncadd.s32 $0xFFFFFC00  }
0xd2: {  	[tilespmem:s6], [sflag:$0x1] =	stream.indirect.gather [hbm4b:s2+s5], $0x80, s24, s5, $0xb8;
	[tilespmem:$0xFC80] =	vst v63  }
0xd3: {  	_ =	swait.ge [sflag:s14], $0x3C00  }
0xd4: {  	[sflag:s14] =	ssyncset.done $0x0  }
0xd5: {  	[sflag:s14] =	ssyncadd.s32 $0xFFFFC400  }
0xd6: {  	[hbm4b:s10+s3] =	stream.linear.scatter [tilespmem:s8], [sflag:$0x7], $0x400, $0x38;
	[tilespmem:$0xFC80] =	vst v63  }
0xd7: {  	_ =	swait.ge [sflag:s15], $0x400  }
0xd8: {  	[sflag:s15] =	ssyncset.done $0x0  }
0xd9: {  	s25 =	simm.s32 $0xBB8;
	[sflag:s15] =	ssyncadd.s32 $0xFFFFFC00  }
0xda: {  	[tilespmem:s7], [sflag:$0x2] =	stream.indirect.gather [hbm4b:s2+s5], $0x80, s25, s5, $0xb8;
	[tilespmem:$0xFC80] =	vst v63  }
0xdb: {  	_ =	swait.ge [sflag:s16], $0x3C00  }
0xdc: {  	[sflag:s16] =	ssyncset.done $0x0  }
0xdd: {  	[sflag:s16] =	ssyncadd.s32 $0xFFFFC400  }
0xde: {  	[hbm4b:s10+s3] =	stream.linear.scatter [tilespmem:s11], [sflag:$0x8], $0x400, $0x38;
	[tilespmem:$0xFC80] =	vst v63  }
0xdf: {  	_ =	swait.ge [sflag:s9], $0x3C00  }
0xe0: {  	[sflag:s9] =	ssyncset.done $0x0  }
0xe1: {  	[sflag:s9] =	ssyncadd.s32 $0xFFFFC400  }
0xe2: {  	[hbm4b:s10+s3] =	stream.linear.scatter [tilespmem:s6], [sflag:$0x5], $0x400, $0x38;
	[tilespmem:$0xFC80] =	vst v63  }
0xe3: {  	_ =	swait.ge [sflag:s12], $0x3C00  }
0xe4: {  	[sflag:s12] =	ssyncset.done $0x0  }
0xe5: {  	[sflag:s12] =	ssyncadd.s32 $0xFFFFC400  }
0xe6: {  	[hbm4b:s10+s3] =	stream.linear.scatter [tilespmem:s7], [sflag:$0x6], $0x400, $0x38;
	[tilespmem:$0xFC80] =	vst v63  }
0xe7: {  	_ =	swait.ge [sflag:s13], $0x400  }
0xe8: {  	[sflag:s13] =	ssyncset.done $0x0  }
0xe9: {  	[sflag:s13] =	ssyncadd.s32 $0xFFFFFC00  }
0xea: {  	_ =	swait.ge [sflag:s15], $0x400  }
0xeb: {  	[sflag:s15] =	ssyncset.done $0x0  }
0xec: {  	[sflag:s15] =	ssyncadd.s32 $0xFFFFFC00  }
0xed: {  	_ =	swait.ge [sflag:s17], $0x400  }
0xee: {  	[sflag:s17] =	ssyncset.done $0x0  }
0xef: {  	[sflag:s17] =	ssyncadd.s32 $0xFFFFFC00  }
0xf0: {  	p0 =	sgt.u32 s19, $0x9;
	_ =	swait.ge [sflag:s18], $0x400  }
0xf1: {  	s28 =	simm.s32 @!p0 $0x0;
	s29 =	simm.s32 @!p0 $0xC30;
	[sflag:s18] =	ssyncset.done $0x0  }
0xf2: {  	s26 =	simm.s32 @!p0 $0x9;
	s1 =	rddreg [dreg:$0x5];
	[sflag:s18] =	ssyncadd.s32 $0xFFFFFC00  }
0xf3: {  	[tilespmem:s29], [sflag:$0x9] =	stream.linear.gather @!p0 [hbm4b:s1+s28], $0x8, $0x38;
	[tilespmem:$0xFC80] =	vst v63  }
0xf4: {  	_ =	swait.ge @!p0 [sflag:s26], $0x8  }
0xf5: {  	s30 =	simm.s32 @!p0 $0x8;
	[sflag:s26] =	ssyncset.done @!p0 $0x0  }
0xf6: {  	s31 =	simm.s32 @!p0 $0xC80;
	s1 =	simm.s32 @!p0 $0x1;
	[sflag:s26] =	ssyncadd.s32 @!p0 $0xFFFFFFF8  }
0xf7: {  	[tilespmem:s31], [sflag:$0x1] =	stream.indirect.gather @!p0 [hbm4b:s2+s30], $0x80, s29, s30, $0xb8;
	[tilespmem:$0xFC80] =	vst v63  }
0xf8: {  	_ =	swait.ge @!p0 [sflag:s1], $0x400  }
0xf9: {  	s19 =	ssub.s32 $0x2, s0;
	s0 =	rddreg [dreg:$0x6]  }
0xfa: {  	[dreg:$0x18] =	wrdreg s0;
	s0 =	sshrl.u32 s19, $0x1  }
0xfb: {  	s0 =	ssub.s32 s19, s0  }
0xfc: {  	s0 =	smax.u32 s0, $0x1  }
0xfd: {  	s0 =	sadd.s32 $0xFFFFFFFF, s0  }
0xfe: {  	p1 =	sne.s32 s0, $0x0  }
.Ltmp0:
0xff: {  	_ = 	snop;
	(pc) =	sbr.rel @!p1 .LBB2_2-.Ltmp0, $4  }
0x100: {  	[sflag:s1] =	ssyncset.done @!p0 $0x0  }
0x101: {  	[sflag:s1] =	ssyncadd.s32 @!p0 $0xFFFFFC00;
	s19 =	rddreg [dreg:$0x18]  }
0x102: {  	[hbm4b:s19+s28] =	stream.linear.scatter @!p0 [tilespmem:s31], [sflag:$0x9], $0x400, $0x38;
	[tilespmem:$0xFC80] =	vst v63  }
0x103: {  	_ =	swait.ge @!p0 [sflag:s26], $0x400  }
.LBB2_1:
0x104: {  	[sflag:s26] =	ssyncset.done @!p0 $0x0  }
0x105: {  	s19 =	rddreg [dreg:$0x4];
	[sflag:s26] =	ssyncadd.s32 @!p0 $0xFFFFFC00  }
0x106: {  	[tilespmem:s3], [sflag:$0x9] =	stream.linear.gather [hbm4b:s19+s3], $0xC30, $0x38;
	[tilespmem:$0xFC80] =	vst v63  }
0x107: {  	_ =	swait.ge [sflag:s4], $0xC30  }
0x108: {  	[sflag:s4] =	ssyncset.done $0x0  }
0x109: {  	[sflag:s4] =	ssyncadd.s32 $0xFFFFF3D0  }
0x10a: {  	[tilespmem:s6], [sflag:$0x1] =	stream.indirect.gather [hbm4b:s2+s5], $0x80, s3, s5, $0xb8;
	[tilespmem:$0xFC80] =	vst v63  }
0x10b: {  	_ = 	snop  }
0x10c: {  	[tilespmem:s7], [sflag:$0x2] =	stream.indirect.gather [hbm4b:s2+s5], $0x80, s5, s5, $0xb8;
	[tilespmem:$0xFC80] =	vst v63  }
0x10d: {  	s19 =	rddreg [dreg:$0x7]  }
0x10e: {  	[tilespmem:s8], [sflag:$0x3] =	stream.indirect.gather [hbm4b:s2+s5], $0x80, s19, s5, $0xb8;
	[tilespmem:$0xFC80] =	vst v63  }
0x10f: {  	_ =	swait.ge [sflag:s9], $0x3C00  }
0x110: {  	[sflag:s9] =	ssyncset.done $0x0  }
0x111: {  	[sflag:s9] =	ssyncadd.s32 $0xFFFFC400  }
0x112: {  	[hbm4b:s10+s3] =	stream.linear.scatter [tilespmem:s6], [sflag:$0x5], $0x400, $0x38;
	[tilespmem:$0xFC80] =	vst v63  }
0x113: {  	s19 =	rddreg [dreg:$0x8]  }
0x114: {  	[tilespmem:s11], [sflag:$0x4] =	stream.indirect.gather [hbm4b:s2+s5], $0x80, s19, s5, $0xb8;
	[tilespmem:$0xFC80] =	vst v63  }
0x115: {  	_ =	swait.ge [sflag:s12], $0x3C00  }
0x116: {  	[sflag:s12] =	ssyncset.done $0x0  }
0x117: {  	[sflag:s12] =	ssyncadd.s32 $0xFFFFC400  }
0x118: {  	[hbm4b:s10+s3] =	stream.linear.scatter [tilespmem:s7], [sflag:$0x6], $0x400, $0x38;
	[tilespmem:$0xFC80] =	vst v63  }
0x119: {  	_ =	swait.ge [sflag:s13], $0x400  }
0x11a: {  	[sflag:s13] =	ssyncset.done $0x0  }
0x11b: {  	s19 =	rddreg [dreg:$0x9];
	[sflag:s13] =	ssyncadd.s32 $0xFFFFFC00  }
0x11c: {  	[tilespmem:s6], [sflag:$0x1] =	stream.indirect.gather [hbm4b:s2+s5], $0x80, s19, s5, $0xb8;
	[tilespmem:$0xFC80] =	vst v63  }
0x11d: {  	_ =	swait.ge [sflag:s14], $0x3C00  }
0x11e: {  	[sflag:s14] =	ssyncset.done $0x0  }
0x11f: {  	[sflag:s14] =	ssyncadd.s32 $0xFFFFC400  }
0x120: {  	[hbm4b:s10+s3] =	stream.linear.scatter [tilespmem:s8], [sflag:$0x7], $0x400, $0x38;
	[tilespmem:$0xFC80] =	vst v63  }
0x121: {  	_ =	swait.ge [sflag:s15], $0x400  }
0x122: {  	[sflag:s15] =	ssyncset.done $0x0  }
0x123: {  	s19 =	rddreg [dreg:$0xa];
	[sflag:s15] =	ssyncadd.s32 $0xFFFFFC00  }
0x124: {  	[tilespmem:s7], [sflag:$0x2] =	stream.indirect.gather [hbm4b:s2+s5], $0x80, s19, s5, $0xb8;
	[tilespmem:$0xFC80] =	vst v63  }
0x125: {  	_ =	swait.ge [sflag:s16], $0x3C00  }
0x126: {  	[sflag:s16] =	ssyncset.done $0x0  }
0x127: {  	[sflag:s16] =	ssyncadd.s32 $0xFFFFC400  }
0x128: {  	[hbm4b:s10+s3] =	stream.linear.scatter [tilespmem:s11], [sflag:$0x8], $0x400, $0x38;
	[tilespmem:$0xFC80] =	vst v63  }
0x129: {  	_ =	swait.ge [sflag:s17], $0x400  }
0x12a: {  	[sflag:s17] =	ssyncset.done $0x0  }
0x12b: {  	s19 =	rddreg [dreg:$0xb];
	[sflag:s17] =	ssyncadd.s32 $0xFFFFFC00  }
0x12c: {  	[tilespmem:s8], [sflag:$0x3] =	stream.indirect.gather [hbm4b:s2+s5], $0x80, s19, s5, $0xb8;
	[tilespmem:$0xFC80] =	vst v63  }
0x12d: {  	_ =	swait.ge [sflag:s9], $0x3C00  }
0x12e: {  	[sflag:s9] =	ssyncset.done $0x0  }
0x12f: {  	[sflag:s9] =	ssyncadd.s32 $0xFFFFC400  }
0x130: {  	[hbm4b:s10+s3] =	stream.linear.scatter [tilespmem:s6], [sflag:$0x5], $0x400, $0x38;
	[tilespmem:$0xFC80] =	vst v63  }
0x131: {  	_ =	swait.ge [sflag:s18], $0x400  }
0x132: {  	[sflag:s18] =	ssyncset.done $0x0  }
0x133: {  	s19 =	rddreg [dreg:$0xc];
	[sflag:s18] =	ssyncadd.s32 $0xFFFFFC00  }
0x134: {  	[tilespmem:s11], [sflag:$0x4] =	stream.indirect.gather [hbm4b:s2+s5], $0x80, s19, s5, $0xb8;
	[tilespmem:$0xFC80] =	vst v63  }
0x135: {  	_ =	swait.ge [sflag:s12], $0x3C00  }
0x136: {  	[sflag:s12] =	ssyncset.done $0x0  }
0x137: {  	[sflag:s12] =	ssyncadd.s32 $0xFFFFC400  }
0x138: {  	[hbm4b:s10+s3] =	stream.linear.scatter [tilespmem:s7], [sflag:$0x6], $0x400, $0x38;
	[tilespmem:$0xFC80] =	vst v63  }
0x139: {  	_ =	swait.ge [sflag:s13], $0x400  }
0x13a: {  	[sflag:s13] =	ssyncset.done $0x0  }
0x13b: {  	s19 =	rddreg [dreg:$0xd];
	[sflag:s13] =	ssyncadd.s32 $0xFFFFFC00  }
0x13c: {  	[tilespmem:s6], [sflag:$0x1] =	stream.indirect.gather [hbm4b:s2+s5], $0x80, s19, s5, $0xb8;
	[tilespmem:$0xFC80] =	vst v63  }
0x13d: {  	_ =	swait.ge [sflag:s14], $0x3C00  }
0x13e: {  	[sflag:s14] =	ssyncset.done $0x0  }
0x13f: {  	[sflag:s14] =	ssyncadd.s32 $0xFFFFC400  }
0x140: {  	[hbm4b:s10+s3] =	stream.linear.scatter [tilespmem:s8], [sflag:$0x7], $0x400, $0x38;
	[tilespmem:$0xFC80] =	vst v63  }
0x141: {  	_ =	swait.ge [sflag:s15], $0x400  }
0x142: {  	[sflag:s15] =	ssyncset.done $0x0  }
0x143: {  	s19 =	rddreg [dreg:$0xe];
	[sflag:s15] =	ssyncadd.s32 $0xFFFFFC00  }
0x144: {  	[tilespmem:s7], [sflag:$0x2] =	stream.indirect.gather [hbm4b:s2+s5], $0x80, s19, s5, $0xb8;
	[tilespmem:$0xFC80] =	vst v63  }
0x145: {  	_ =	swait.ge [sflag:s16], $0x3C00  }
0x146: {  	[sflag:s16] =	ssyncset.done $0x0  }
0x147: {  	[sflag:s16] =	ssyncadd.s32 $0xFFFFC400  }
0x148: {  	[hbm4b:s10+s3] =	stream.linear.scatter [tilespmem:s11], [sflag:$0x8], $0x400, $0x38;
	[tilespmem:$0xFC80] =	vst v63  }
0x149: {  	_ =	swait.ge [sflag:s17], $0x400  }
0x14a: {  	[sflag:s17] =	ssyncset.done $0x0  }
0x14b: {  	s19 =	rddreg [dreg:$0xf];
	[sflag:s17] =	ssyncadd.s32 $0xFFFFFC00  }
0x14c: {  	[tilespmem:s8], [sflag:$0x3] =	stream.indirect.gather [hbm4b:s2+s5], $0x80, s19, s5, $0xb8;
	[tilespmem:$0xFC80] =	vst v63  }
0x14d: {  	_ =	swait.ge [sflag:s9], $0x3C00  }
0x14e: {  	[sflag:s9] =	ssyncset.done $0x0  }
0x14f: {  	[sflag:s9] =	ssyncadd.s32 $0xFFFFC400  }
0x150: {  	[hbm4b:s10+s3] =	stream.linear.scatter [tilespmem:s6], [sflag:$0x5], $0x400, $0x38;
	[tilespmem:$0xFC80] =	vst v63  }
0x151: {  	_ =	swait.ge [sflag:s18], $0x400  }
0x152: {  	[sflag:s18] =	ssyncset.done $0x0  }
0x153: {  	s19 =	rddreg [dreg:$0x10];
	[sflag:s18] =	ssyncadd.s32 $0xFFFFFC00  }
0x154: {  	[tilespmem:s11], [sflag:$0x4] =	stream.indirect.gather [hbm4b:s2+s5], $0x80, s19, s5, $0xb8;
	[tilespmem:$0xFC80] =	vst v63  }
0x155: {  	_ =	swait.ge [sflag:s12], $0x3C00  }
0x156: {  	[sflag:s12] =	ssyncset.done $0x0  }
0x157: {  	[sflag:s12] =	ssyncadd.s32 $0xFFFFC400  }
0x158: {  	[hbm4b:s10+s3] =	stream.linear.scatter [tilespmem:s7], [sflag:$0x6], $0x400, $0x38;
	[tilespmem:$0xFC80] =	vst v63  }
0x159: {  	_ =	swait.ge [sflag:s13], $0x400  }
0x15a: {  	[sflag:s13] =	ssyncset.done $0x0  }
0x15b: {  	s19 =	rddreg [dreg:$0x11];
	[sflag:s13] =	ssyncadd.s32 $0xFFFFFC00  }
0x15c: {  	[tilespmem:s6], [sflag:$0x1] =	stream.indirect.gather [hbm4b:s2+s5], $0x80, s19, s5, $0xb8;
	[tilespmem:$0xFC80] =	vst v63  }
0x15d: {  	_ =	swait.ge [sflag:s14], $0x3C00  }
0x15e: {  	[sflag:s14] =	ssyncset.done $0x0  }
0x15f: {  	[sflag:s14] =	ssyncadd.s32 $0xFFFFC400  }
0x160: {  	[hbm4b:s10+s3] =	stream.linear.scatter [tilespmem:s8], [sflag:$0x7], $0x400, $0x38;
	[tilespmem:$0xFC80] =	vst v63  }
0x161: {  	_ =	swait.ge [sflag:s15], $0x400  }
0x162: {  	[sflag:s15] =	ssyncset.done $0x0  }
0x163: {  	s19 =	rddreg [dreg:$0x12];
	[sflag:s15] =	ssyncadd.s32 $0xFFFFFC00  }
0x164: {  	[tilespmem:s7], [sflag:$0x2] =	stream.indirect.gather [hbm4b:s2+s5], $0x80, s19, s5, $0xb8;
	[tilespmem:$0xFC80] =	vst v63  }
0x165: {  	_ =	swait.ge [sflag:s16], $0x3C00  }
0x166: {  	[sflag:s16] =	ssyncset.done $0x0  }
0x167: {  	[sflag:s16] =	ssyncadd.s32 $0xFFFFC400  }
0x168: {  	[hbm4b:s10+s3] =	stream.linear.scatter [tilespmem:s11], [sflag:$0x8], $0x400, $0x38;
	[tilespmem:$0xFC80] =	vst v63  }
0x169: {  	_ =	swait.ge [sflag:s17], $0x400  }
0x16a: {  	[sflag:s17] =	ssyncset.done $0x0  }
0x16b: {  	s19 =	rddreg [dreg:$0x13];
	[sflag:s17] =	ssyncadd.s32 $0xFFFFFC00  }
0x16c: {  	[tilespmem:s8], [sflag:$0x3] =	stream.indirect.gather [hbm4b:s2+s5], $0x80, s19, s5, $0xb8;
	[tilespmem:$0xFC80] =	vst v63  }
0x16d: {  	_ =	swait.ge [sflag:s9], $0x3C00  }
0x16e: {  	[sflag:s9] =	ssyncset.done $0x0  }
0x16f: {  	[sflag:s9] =	ssyncadd.s32 $0xFFFFC400  }
0x170: {  	[hbm4b:s10+s3] =	stream.linear.scatter [tilespmem:s6], [sflag:$0x5], $0x400, $0x38;
	[tilespmem:$0xFC80] =	vst v63  }
0x171: {  	_ =	swait.ge [sflag:s18], $0x400  }
0x172: {  	[sflag:s18] =	ssyncset.done $0x0  }
0x173: {  	s19 =	rddreg [dreg:$0x14];
	[sflag:s18] =	ssyncadd.s32 $0xFFFFFC00  }
0x174: {  	[tilespmem:s11], [sflag:$0x4] =	stream.indirect.gather [hbm4b:s2+s5], $0x80, s19, s5, $0xb8;
	[tilespmem:$0xFC80] =	vst v63  }
0x175: {  	_ =	swait.ge [sflag:s12], $0x3C00  }
0x176: {  	[sflag:s12] =	ssyncset.done $0x0  }
0x177: {  	[sflag:s12] =	ssyncadd.s32 $0xFFFFC400  }
0x178: {  	[hbm4b:s10+s3] =	stream.linear.scatter [tilespmem:s7], [sflag:$0x6], $0x400, $0x38;
	[tilespmem:$0xFC80] =	vst v63  }
0x179: {  	_ =	swait.ge [sflag:s13], $0x400  }
0x17a: {  	[sflag:s13] =	ssyncset.done $0x0  }
0x17b: {  	s19 =	rddreg [dreg:$0x15];
	[sflag:s13] =	ssyncadd.s32 $0xFFFFFC00  }
0x17c: {  	[tilespmem:s6], [sflag:$0x1] =	stream.indirect.gather [hbm4b:s2+s5], $0x80, s19, s5, $0xb8;
	[tilespmem:$0xFC80] =	vst v63  }
0x17d: {  	_ =	swait.ge [sflag:s14], $0x3C00  }
0x17e: {  	[sflag:s14] =	ssyncset.done $0x0  }
0x17f: {  	[sflag:s14] =	ssyncadd.s32 $0xFFFFC400  }
0x180: {  	[hbm4b:s10+s3] =	stream.linear.scatter [tilespmem:s8], [sflag:$0x7], $0x400, $0x38;
	[tilespmem:$0xFC80] =	vst v63  }
0x181: {  	_ =	swait.ge [sflag:s15], $0x400  }
0x182: {  	[sflag:s15] =	ssyncset.done $0x0  }
0x183: {  	s19 =	rddreg [dreg:$0x16];
	[sflag:s15] =	ssyncadd.s32 $0xFFFFFC00  }
0x184: {  	[tilespmem:s7], [sflag:$0x2] =	stream.indirect.gather [hbm4b:s2+s5], $0x80, s19, s5, $0xb8;
	[tilespmem:$0xFC80] =	vst v63  }
0x185: {  	_ =	swait.ge [sflag:s16], $0x3C00  }
0x186: {  	[sflag:s16] =	ssyncset.done $0x0  }
0x187: {  	[sflag:s16] =	ssyncadd.s32 $0xFFFFC400  }
0x188: {  	[hbm4b:s10+s3] =	stream.linear.scatter [tilespmem:s11], [sflag:$0x8], $0x400, $0x38;
	[tilespmem:$0xFC80] =	vst v63  }
0x189: {  	_ =	swait.ge [sflag:s17], $0x400  }
0x18a: {  	[sflag:s17] =	ssyncset.done $0x0  }
0x18b: {  	s19 =	rddreg [dreg:$0x17];
	[sflag:s17] =	ssyncadd.s32 $0xFFFFFC00  }
0x18c: {  	[tilespmem:s8], [sflag:$0x3] =	stream.indirect.gather [hbm4b:s2+s5], $0x80, s19, s5, $0xb8;
	[tilespmem:$0xFC80] =	vst v63  }
0x18d: {  	_ =	swait.ge [sflag:s9], $0x3C00  }
0x18e: {  	[sflag:s9] =	ssyncset.done $0x0  }
0x18f: {  	[sflag:s9] =	ssyncadd.s32 $0xFFFFC400  }
0x190: {  	[hbm4b:s10+s3] =	stream.linear.scatter [tilespmem:s6], [sflag:$0x5], $0x400, $0x38;
	[tilespmem:$0xFC80] =	vst v63  }
0x191: {  	_ =	swait.ge [sflag:s18], $0x400  }
0x192: {  	[sflag:s18] =	ssyncset.done $0x0  }
0x193: {  	s19 =	simm.s32 $0x8E8;
	[sflag:s18] =	ssyncadd.s32 $0xFFFFFC00  }
0x194: {  	[tilespmem:s11], [sflag:$0x4] =	stream.indirect.gather [hbm4b:s2+s5], $0x80, s19, s5, $0xb8;
	[tilespmem:$0xFC80] =	vst v63  }
0x195: {  	_ =	swait.ge [sflag:s12], $0x3C00  }
0x196: {  	[sflag:s12] =	ssyncset.done $0x0  }
0x197: {  	[sflag:s12] =	ssyncadd.s32 $0xFFFFC400  }
0x198: {  	[hbm4b:s10+s3] =	stream.linear.scatter [tilespmem:s7], [sflag:$0x6], $0x400, $0x38;
	[tilespmem:$0xFC80] =	vst v63  }
0x199: {  	_ =	swait.ge [sflag:s13], $0x400  }
0x19a: {  	[sflag:s13] =	ssyncset.done $0x0  }
0x19b: {  	[sflag:s13] =	ssyncadd.s32 $0xFFFFFC00  }
0x19c: {  	[tilespmem:s6], [sflag:$0x1] =	stream.indirect.gather [hbm4b:s2+s5], $0x80, s20, s5, $0xb8;
	[tilespmem:$0xFC80] =	vst v63  }
0x19d: {  	_ =	swait.ge [sflag:s14], $0x3C00  }
0x19e: {  	[sflag:s14] =	ssyncset.done $0x0  }
0x19f: {  	[sflag:s14] =	ssyncadd.s32 $0xFFFFC400  }
0x1a0: {  	[hbm4b:s10+s3] =	stream.linear.scatter [tilespmem:s8], [sflag:$0x7], $0x400, $0x38;
	[tilespmem:$0xFC80] =	vst v63  }
0x1a1: {  	_ =	swait.ge [sflag:s15], $0x400  }
0x1a2: {  	[sflag:s15] =	ssyncset.done $0x0  }
0x1a3: {  	[sflag:s15] =	ssyncadd.s32 $0xFFFFFC00  }
0x1a4: {  	[tilespmem:s7], [sflag:$0x2] =	stream.indirect.gather [hbm4b:s2+s5], $0x80, s21, s5, $0xb8;
	[tilespmem:$0xFC80] =	vst v63  }
0x1a5: {  	_ =	swait.ge [sflag:s16], $0x3C00  }
0x1a6: {  	[sflag:s16] =	ssyncset.done $0x0  }
0x1a7: {  	[sflag:s16] =	ssyncadd.s32 $0xFFFFC400  }
0x1a8: {  	[hbm4b:s10+s3] =	stream.linear.scatter [tilespmem:s11], [sflag:$0x8], $0x400, $0x38;
	[tilespmem:$0xFC80] =	vst v63  }
0x1a9: {  	_ =	swait.ge [sflag:s17], $0x400  }
0x1aa: {  	[sflag:s17] =	ssyncset.done $0x0  }
0x1ab: {  	[sflag:s17] =	ssyncadd.s32 $0xFFFFFC00  }
0x1ac: {  	[tilespmem:s8], [sflag:$0x3] =	stream.indirect.gather [hbm4b:s2+s5], $0x80, s22, s5, $0xb8;
	[tilespmem:$0xFC80] =	vst v63  }
0x1ad: {  	_ =	swait.ge [sflag:s9], $0x3C00  }
0x1ae: {  	[sflag:s9] =	ssyncset.done $0x0  }
0x1af: {  	[sflag:s9] =	ssyncadd.s32 $0xFFFFC400  }
0x1b0: {  	[hbm4b:s10+s3] =	stream.linear.scatter [tilespmem:s6], [sflag:$0x5], $0x400, $0x38;
	[tilespmem:$0xFC80] =	vst v63  }
0x1b1: {  	_ =	swait.ge [sflag:s18], $0x400  }
0x1b2: {  	[sflag:s18] =	ssyncset.done $0x0  }
0x1b3: {  	[sflag:s18] =	ssyncadd.s32 $0xFFFFFC00  }
0x1b4: {  	[tilespmem:s11], [sflag:$0x4] =	stream.indirect.gather [hbm4b:s2+s5], $0x80, s23, s5, $0xb8;
	[tilespmem:$0xFC80] =	vst v63  }
0x1b5: {  	_ =	swait.ge [sflag:s12], $0x3C00  }
0x1b6: {  	[sflag:s12] =	ssyncset.done $0x0  }
0x1b7: {  	[sflag:s12] =	ssyncadd.s32 $0xFFFFC400  }
0x1b8: {  	[hbm4b:s10+s3] =	stream.linear.scatter [tilespmem:s7], [sflag:$0x6], $0x400, $0x38;
	[tilespmem:$0xFC80] =	vst v63  }
0x1b9: {  	_ =	swait.ge [sflag:s13], $0x400  }
0x1ba: {  	[sflag:s13] =	ssyncset.done $0x0  }
0x1bb: {  	[sflag:s13] =	ssyncadd.s32 $0xFFFFFC00  }
0x1bc: {  	[tilespmem:s6], [sflag:$0x1] =	stream.indirect.gather [hbm4b:s2+s5], $0x80, s24, s5, $0xb8;
	[tilespmem:$0xFC80] =	vst v63  }
0x1bd: {  	_ =	swait.ge [sflag:s14], $0x3C00  }
0x1be: {  	[sflag:s14] =	ssyncset.done $0x0  }
0x1bf: {  	[sflag:s14] =	ssyncadd.s32 $0xFFFFC400  }
0x1c0: {  	[hbm4b:s10+s3] =	stream.linear.scatter [tilespmem:s8], [sflag:$0x7], $0x400, $0x38;
	[tilespmem:$0xFC80] =	vst v63  }
0x1c1: {  	_ =	swait.ge [sflag:s15], $0x400  }
0x1c2: {  	[sflag:s15] =	ssyncset.done $0x0  }
0x1c3: {  	[sflag:s15] =	ssyncadd.s32 $0xFFFFFC00  }
0x1c4: {  	[tilespmem:s7], [sflag:$0x2] =	stream.indirect.gather [hbm4b:s2+s5], $0x80, s25, s5, $0xb8;
	[tilespmem:$0xFC80] =	vst v63  }
0x1c5: {  	_ =	swait.ge [sflag:s16], $0x3C00  }
0x1c6: {  	[sflag:s16] =	ssyncset.done $0x0  }
0x1c7: {  	[sflag:s16] =	ssyncadd.s32 $0xFFFFC400  }
0x1c8: {  	[hbm4b:s10+s3] =	stream.linear.scatter [tilespmem:s11], [sflag:$0x8], $0x400, $0x38;
	[tilespmem:$0xFC80] =	vst v63  }
0x1c9: {  	_ =	swait.ge [sflag:s9], $0x3C00  }
0x1ca: {  	[sflag:s9] =	ssyncset.done $0x0  }
0x1cb: {  	[sflag:s9] =	ssyncadd.s32 $0xFFFFC400  }
0x1cc: {  	[hbm4b:s10+s3] =	stream.linear.scatter [tilespmem:s6], [sflag:$0x5], $0x400, $0x38;
	[tilespmem:$0xFC80] =	vst v63  }
0x1cd: {  	_ =	swait.ge [sflag:s12], $0x3C00  }
0x1ce: {  	[sflag:s12] =	ssyncset.done $0x0  }
0x1cf: {  	[sflag:s12] =	ssyncadd.s32 $0xFFFFC400  }
0x1d0: {  	[hbm4b:s10+s3] =	stream.linear.scatter [tilespmem:s7], [sflag:$0x6], $0x400, $0x38;
	[tilespmem:$0xFC80] =	vst v63  }
0x1d1: {  	_ =	swait.ge [sflag:s13], $0x400  }
0x1d2: {  	[sflag:s13] =	ssyncset.done $0x0  }
0x1d3: {  	[sflag:s13] =	ssyncadd.s32 $0xFFFFFC00  }
0x1d4: {  	_ =	swait.ge [sflag:s15], $0x400  }
0x1d5: {  	[sflag:s15] =	ssyncset.done $0x0  }
0x1d6: {  	[sflag:s15] =	ssyncadd.s32 $0xFFFFFC00  }
0x1d7: {  	_ =	swait.ge [sflag:s17], $0x400  }
0x1d8: {  	[sflag:s17] =	ssyncset.done $0x0  }
0x1d9: {  	[sflag:s17] =	ssyncadd.s32 $0xFFFFFC00  }
0x1da: {  	_ =	swait.ge [sflag:s18], $0x400  }
0x1db: {  	[sflag:s18] =	ssyncset.done $0x0  }
0x1dc: {  	s19 =	rddreg [dreg:$0x5];
	[sflag:s18] =	ssyncadd.s32 $0xFFFFFC00  }
0x1dd: {  	[tilespmem:s29], [sflag:$0x9] =	stream.linear.gather @!p0 [hbm4b:s19+s28], $0x8, $0x38;
	[tilespmem:$0xFC80] =	vst v63  }
0x1de: {  	_ =	swait.ge @!p0 [sflag:s26], $0x8  }
0x1df: {  	s0 =	sadd.s32 $0xFFFFFFFF, s0;
	[sflag:s26] =	ssyncset.done @!p0 $0x0  }
0x1e0: {  	p1 =	sne.s32 s0, $0x0;
	[sflag:s26] =	ssyncadd.s32 @!p0 $0xFFFFFFF8  }
0x1e1: {  	[tilespmem:s31], [sflag:$0x1] =	stream.indirect.gather @!p0 [hbm4b:s2+s30], $0x80, s29, s30, $0xb8;
	[tilespmem:$0xFC80] =	vst v63  }
.Ltmp1:
0x1e2: {  	_ =	swait.ge @!p0 [sflag:s1], $0x400;
	(pc) =	sbr.rel @p1 .LBB2_1-.Ltmp1, $4  }
0x1e3: {  	[sflag:s1] =	ssyncset.done @!p0 $0x0  }
0x1e4: {  	s19 =	rddreg [dreg:$0x6];
	[sflag:s1] =	ssyncadd.s32 @!p0 $0xFFFFFC00  }
0x1e5: {  	[hbm4b:s19+s28] =	stream.linear.scatter @!p0 [tilespmem:s31], [sflag:$0x9], $0x400, $0x38;
	[tilespmem:$0xFC80] =	vst v63  }
0x1e6: {  	_ =	swait.ge @!p0 [sflag:s26], $0x400  }
.LBB2_2:
0x1e7: {  	[sflag:s26] =	ssyncset.done @!p0 $0x0  }
0x1e8: {  	[sflag:s26] =	ssyncadd.s32 @!p0 $0xFFFFFC00  }
0x1e9: {  	_ =	sfence.sel $0x180000  }
0x1ea: {  	[bflag:$0x0] =	sbarrier.arrive $0xFFFF  }
0x1eb: {  	_ =	strace $0x90000047  }
0x1ec: {  	s0 =	stileid.u32;
	[bflag:$0x2] =	sbarrier.arrive $0xFFFF  }
0x1ed: {  	p0 =	sne.s32 s0, $0x0;
	s0 =	rddreg [dreg:$0x3]  }
0x1ee: {  	s0 =	sadd.s32 @!p0 $0x100000, s0  }
0x1ef: {  	[sflag:s0] =	ssyncadd.tile.s32 @!p0 $0x1;
	_ =	shalt  }
.Lfunc_end2:
_tile_overlayer_lowered:
.L_overlay_start_2:
0x1f0: {  	(tag) =	ssettag $0x2  }
0x1f1: {  	s0 =	rddreg [dreg:$0x0];
	s2 =	stileid.u32  }
0x1f2: {  	s1 =	rddreg [dreg:$0x1];
	p0 =	sne.s32 s2, $0x0  }
0x1f3: {  	s3 =	rddreg [dreg:$0x2];
	[bflag:$0x3] =	sbarrier.arrive $0xFFFF;
	s2 =	simm.s32 @!p0 $0x1C09  }
0x1f4: {  	[timem:s3], [sflag:s2] =	dma.local @!p0 [hbm:s0], s1  }
0x1f5: {  	s0 =	simm.s32 @!p0 $0x9  }
0x1f6: {  	_ =	swait.ge @!p0 [sflag:s0], s1  }
0x1f7: {  	s1 =	ssub.s32 @!p0 $0x0, s1;
	[sflag:s0] =	ssyncset.done @!p0 $0x0  }
0x1f8: {  	[sflag:s0] =	ssyncadd.s32 @!p0 s1  }
0x1f9: {  	[bflag:$0x3] =	sbarrier.arrive $0xFFFF  }
0x1fa: {  	_ =	shalt  }

</sc_bundles>
